<compile_context>
chip_gen: v7x
topology: tpu7x:2x2x1
jax: 0.10.2.dev20260603
libtpu: 0.0.44.dev20260713+nightly
codegen_flags: <defaults>
</compile_context>

<pallas_src>
import functools

import jax
import jax.numpy as jnp
from jax import lax
from jax.experimental import pallas as pl
from jax.experimental.pallas import tpu as pltpu
from jax.experimental.pallas import tpu_sc as plsc

_NC = 2
_NS = 16
_NW = _NC * _NS
_CH = 128


def _sc_gather(table, idx):
    n, d = table.shape
    e = idx.shape[0]
    per_w = e // _NW
    n_iter = per_w // _CH
    mesh = plsc.VectorSubcoreMesh(core_axis_name="c", subcore_axis_name="s")

    @functools.partial(
        pl.kernel,
        out_type=jax.ShapeDtypeStruct((e, d), jnp.float32),
        mesh=mesh,
        scratch_types=[
            pltpu.VMEM((_CH,), jnp.int32),
            pltpu.VMEM((_CH, d), jnp.float32),
            pltpu.SemaphoreType.DMA,
        ],
    )
    def gather_kernel(table_hbm, idx_hbm, out_hbm, idx_v, rows_v, sem):
        wid = lax.axis_index("s") * _NC + lax.axis_index("c")
        base0 = wid * per_w

        def body(i, carry):
            base = base0 + i * _CH
            pltpu.sync_copy(idx_hbm.at[pl.ds(base, _CH)], idx_v)
            pltpu.async_copy(table_hbm.at[idx_v], rows_v, sem).wait()
            pltpu.sync_copy(rows_v, out_hbm.at[pl.ds(base, _CH)])
            return carry

        lax.fori_loop(0, n_iter, body, 0)

    return gather_kernel(table, idx)


def _sc_scatter_add(msgs, idx, zeros_nd):
    e, d = msgs.shape
    n = zeros_nd.shape[0]
    per_w = e // _NW
    n_iter = per_w // _CH
    rows_per_sub = (n // _NS) // 8 * 8
    tail_base = _NS * rows_per_sub
    tail_rows = n - tail_base
    mesh = plsc.VectorSubcoreMesh(core_axis_name="c", subcore_axis_name="s")

    @functools.partial(
        pl.kernel,
        out_type=jax.ShapeDtypeStruct((_NC * n, d), jnp.float32),
        mesh=mesh,
        scratch_types=[
            pltpu.VMEM((_CH,), jnp.int32),
            pltpu.VMEM((_CH, d), jnp.float32),
            pltpu.VMEM_SHARED((n, d), jnp.float32),
            pltpu.SemaphoreType.DMA,
        ],
    )
    def scatter_kernel(msgs_hbm, idx_hbm, zeros_hbm, out_hbm, idx_v, rows_v, acc_sh, sem):
        cid = lax.axis_index("c")
        sid = lax.axis_index("s")
        wid = sid * _NC + cid
        r0 = sid * rows_per_sub
        pltpu.sync_copy(zeros_hbm.at[pl.ds(r0, rows_per_sub)],
                        acc_sh.at[pl.ds(r0, rows_per_sub)])
        if tail_rows:
            @pl.when(sid == 0)
            def _zero_tail():
                pltpu.sync_copy(zeros_hbm.at[pl.ds(tail_base, tail_rows)],
                                acc_sh.at[pl.ds(tail_base, tail_rows)])
        plsc.subcore_barrier()

        base0 = wid * per_w

        def body(i, carry):
            base = base0 + i * _CH
            pltpu.sync_copy(idx_hbm.at[pl.ds(base, _CH)], idx_v)
            pltpu.sync_copy(msgs_hbm.at[pl.ds(base, _CH)], rows_v)
            pltpu.sync_copy(rows_v, acc_sh.at[idx_v], add=True)
            return carry

        lax.fori_loop(0, n_iter, body, 0)
        plsc.subcore_barrier()
        pltpu.sync_copy(acc_sh.at[pl.ds(r0, rows_per_sub)],
                        out_hbm.at[pl.ds(cid * n + r0, rows_per_sub)])
        if tail_rows:
            @pl.when(sid == 0)
            def _dump_tail():
                pltpu.sync_copy(acc_sh.at[pl.ds(tail_base, tail_rows)],
                                out_hbm.at[pl.ds(cid * n + tail_base, tail_rows)])

    return scatter_kernel(msgs, idx, zeros_nd)


_SELU_ALPHA = 1.6732632423543772
_SELU_SCALE = 1.0507009873554805


def _tc_edge_math(gathered, et, w_flat, b_cat, e_mat):
    e, d = gathered.shape
    l_types = et.shape[1]
    o = w_flat.shape[-1]
    k = (o - d) // 2
    eb = 1024
    grid = e // eb

    def body(se_ref, et_ref, w_ref, b_ref, emat_ref, out_ref):
        se = se_ref[...]
        ets = et_ref[...]
        et_wide = jnp.broadcast_to(ets.astype(jnp.bfloat16)[:, :, None],
                                   (eb, l_types, d)).reshape(eb, l_types * d)
        se_wide = jnp.tile(se.astype(jnp.bfloat16), (1, l_types))
        u = et_wide * se_wide
        acc = jnp.dot(u, w_ref[...], preferred_element_type=jnp.float32)
        acc = acc + jnp.dot(ets, b_ref[...], preferred_element_type=jnp.float32)
        p_src = acc[:, :k]
        p_qry = acc[:, k:2 * k]
        p_msg = acc[:, 2 * k:]
        s = _SELU_SCALE * jnp.where(p_src > 0, p_src,
                                    _SELU_ALPHA * (jnp.exp(p_src) - 1.0))
        scores = jnp.sum(s * p_qry, axis=1, keepdims=True)
        iew = jnp.mean(ets, axis=1, keepdims=True)
        out_ref[...] = (iew * jnp.exp(scores)) * p_msg

    return pl.pallas_call(
        body,
        grid=(grid,),
        in_specs=[
            pl.BlockSpec((eb, d), lambda i: (i, 0)),
            pl.BlockSpec((eb, l_types), lambda i: (i, 0)),
            pl.BlockSpec((l_types * d, o), lambda i: (0, 0)),
            pl.BlockSpec((l_types, o), lambda i: (0, 0)),
            pl.BlockSpec((l_types, l_types * d), lambda i: (0, 0)),
        ],
        out_specs=pl.BlockSpec((eb, d), lambda i: (i, 0)),
        out_shape=jax.ShapeDtypeStruct((e, d), jnp.float32),
    )(gathered, et, w_flat, b_cat, e_mat)


def _tc_norm_accum(partials, out_prev):
    n, d = out_prev.shape
    nb = 1000
    grid = n // nb

    def body(p_ref, prev_ref, cur_ref, out_ref):
        new = p_ref[0] + p_ref[1]
        ssq = jnp.sum(new * new, axis=1, keepdims=True)
        nrm = new * lax.rsqrt(jnp.maximum(ssq, 1e-12))
        cur_ref[...] = nrm
        out_ref[...] = prev_ref[...] + nrm

    return pl.pallas_call(
        body,
        grid=(grid,),
        in_specs=[
            pl.BlockSpec((2, nb, d), lambda i: (0, i, 0)),
            pl.BlockSpec((nb, d), lambda i: (i, 0)),
        ],
        out_specs=[
            pl.BlockSpec((nb, d), lambda i: (i, 0)),
            pl.BlockSpec((nb, d), lambda i: (i, 0)),
        ],
        out_shape=[
            jax.ShapeDtypeStruct((n, d), jnp.float32),
            jax.ShapeDtypeStruct((n, d), jnp.float32),
        ],
    )(partials, out_prev)


def kernel(entity_embeds, sources, targets, edge_types, W_src, b_src,
           W_query, W_msg, b_msg, W_ni, b_ni, W_ie):
    n, d = entity_embeds.shape
    c, s, l_types = edge_types.shape
    e = c * s
    src = sources.reshape(e)
    tgt = targets.reshape(e)
    et = edge_types.reshape(e, l_types)
    w_cat = jnp.concatenate([W_src, W_query, W_msg], axis=-1)
    o = w_cat.shape[-1]
    w_flat = w_cat.reshape(l_types * d, o).astype(jnp.bfloat16)
    b_cat = jnp.concatenate([b_src, jnp.zeros_like(b_src), b_msg], axis=-1)
    e_mat = jnp.kron(jnp.eye(l_types, dtype=jnp.float32),
                     jnp.ones((1, d), jnp.float32)).astype(jnp.bfloat16)
    zeros_nd = jnp.zeros((n, d), jnp.float32)

    out = entity_embeds
    cur = entity_embeds
    for _ in range(3):
        gathered = _sc_gather(cur, src)
        msgs = _tc_edge_math(gathered, et, w_flat, b_cat, e_mat)
        partials = _sc_scatter_add(msgs, tgt, zeros_nd).reshape(2, n, d)
        cur, out = _tc_norm_accum(partials, out)
    return out

# --- scband reference (transcript-rebuilt; emitter-appended) ---
"""Pipeline reference for scband-kgin-80908593923416 (READ-ONLY COPY).

The authoritative reference and input builder live on the scoring server;
editing this copy changes nothing except your own understanding.
"""

import jax, jax.numpy as jnp
import numpy as np

NUM_LAYERS = 3
NUM_EDGE_TYPES = 12
NUM_NODE_TYPES = 4


def _l2norm(x):
    return x * jax.lax.rsqrt(jnp.maximum(jnp.sum(x * x, axis=-1, keepdims=True), 1e-12))


def setup_inputs(seed: int = 0) -> dict:
    key = jax.random.key(seed)
    ks = jax.random.split(key, 16)
    N, D = 10000, 128          # num_entities, entity_dims
    L, R = NUM_EDGE_TYPES, NUM_NODE_TYPES
    K, I = 64, 8               # edge_type_dims, num_intents
    C, S = 5, 32768            # num_chunks, chunk_size
    s = 0.02
    return {
        "entity_embeds": jax.random.normal(ks[0], (N, D), dtype=jnp.float32),
        "sources": jax.random.randint(ks[1], (C, S), 0, N, dtype=jnp.int32),
        "targets": jax.random.randint(ks[2], (C, S), 0, N, dtype=jnp.int32),
        "edge_types": jax.random.uniform(ks[3], (C, S, L), dtype=jnp.float32),
        "W_src": jax.random.normal(ks[4], (L, D, K), dtype=jnp.float32) * s,
        "b_src": jnp.zeros((L, K), dtype=jnp.float32),
        "W_query": jax.random.normal(ks[5], (L, D, K), dtype=jnp.float32) * s,
        "W_msg": jax.random.normal(ks[6], (L, D, D), dtype=jnp.float32) * s,
        "b_msg": jnp.zeros((L, D), dtype=jnp.float32),
        "W_ni": jax.random.normal(ks[7], (R, D, I), dtype=jnp.float32) * s,
        "b_ni": jnp.zeros((R, I), dtype=jnp.float32),
        "W_ie": jax.random.normal(ks[8], (R, I, L), dtype=jnp.float32) * s,
    }


def _multidense(lookups, values, W, b):
    # tf.einsum('...i,...l,lio->...o', values, lookups, W) (+ lookups @ b)
    out = jnp.einsum('ci,cl,lio->co', values, lookups, W)
    if b is not None:
        out = out + lookups @ b
    return out


def reference(entity_embeds, sources, targets, edge_types, W_src, b_src, W_query, W_msg, b_msg, W_ni, b_ni, W_ie):
    # EDGE_NODE_TYPES is all zeros in the source module
    ett = jnp.zeros((NUM_EDGE_TYPES, NUM_NODE_TYPES), dtype=entity_embeds.dtype)

    def pass_messages(embeds):
        new = jnp.zeros_like(embeds)
        for i in range(sources.shape[0]):
            s_idx = sources[i]
            t_idx = targets[i]
            et = edge_types[i]
            se = embeds[s_idx]
            te = embeds[t_idx]
            tt = jnp.einsum('ce,en->cn', et, ett)
            ti = jnp.tanh(_multidense(tt, te, W_ni, b_ni))                 # node_to_intents (tanh)
            tew = jax.nn.softmax(_multidense(tt, ti, W_ie, None), axis=-1) # intents_to_edge_type_weights (softmax)
            iew = jnp.einsum('cr,cr->c', et, tew)
            sre = jax.nn.selu(_multidense(et, se, W_src, b_src))           # transform_source_by_edge_type (selu)
            tq = _multidense(et, se, W_query, None)                        # target_query_by_edge_type (linear)
            scores = jnp.einsum('er,er->e', sre, tq)
            w = iew * jnp.exp(scores)                                      # dropout rate 0.0 / inference
            msgs = w[:, None] * _multidense(et, se, W_msg, b_msg)          # message_for_edge_type (linear)
            new = new.at[t_idx].add(msgs)
        return _l2norm(new)

    out = entity_embeds
    cur = entity_embeds
    for _ in range(NUM_LAYERS):
        cur = pass_messages(cur)
        out = out + cur
    return out

if __name__ == "__main__":
    import jax
    _d = setup_inputs()
    print(jax.jit(kernel)(*tuple(_d.values())))

</pallas_src>

<mosaic_0001>
#map = affine_map<(d0, d1) -> (0, 0)>
#map1 = affine_map<(d0, d1) -> (0)>
module attributes {stable_mosaic.version = 14 : i64} {
  func.func @gather_kernel(%arg0: i32, %arg1: i32, %arg2: memref<10000x128xf32, #tpu.memory_space<hbm>>, %arg3: memref<163840xi32, #tpu.memory_space<hbm>>, %arg4: memref<163840x128xf32, #tpu.memory_space<hbm>>, %arg5: memref<128xi32, #tpu.memory_space<vmem>>, %arg6: memref<128x128xf32, #tpu.memory_space<vmem>>, %arg7: memref<!tpu.dma_semaphore, #tpu.memory_space<semaphore_mem>>) attributes {dimension_semantics = [#tpu.dimension_semantics<core_parallel>, #tpu.dimension_semantics<subcore_parallel>], iteration_bounds = array<i64: 2, 16>, scalar_prefetch = 0 : i64, scratch_operands = 3 : i64, tpu.core_type = #tpu.core_type<sc_vector_subcore>, window_params = [{transform_indices = #map}, {transform_indices = #map1}, {transform_indices = #map}]} {
    %mul3A = arith.constant 2 : i32
    %mul3A_0 = arith.muli %arg1, %mul3A : i32
    %add3A = arith.addi %mul3A_0, %arg0 : i32
    %mul3A_1 = arith.constant 5120 : i32
    %mul3A_2 = arith.muli %add3A, %mul3A_1 : i32
    %scan3A = arith.constant 0 : i32
    %scan3A_3 = arith.constant 0 : i32
    %scan3A_4 = arith.constant 40 : i32
    %scan3A_5 = arith.addi %scan3A_3, %scan3A_4 : i32
    %scan3A_6 = arith.constant 1 : i32
    scf.for %scan3A_8 = %scan3A_3 to %scan3A_5 step %scan3A_6  : i32 {
      %mul3A_9 = arith.constant 128 : i32
      %mul3A_10 = arith.muli %scan3A_8, %mul3A_9 : i32
      %add3A_11 = arith.addi %mul3A_2, %mul3A_10 : i32
      "tpu.region"() ({
        %run_scoped3A = tpu.sem_alloc : memref<!tpu.dma_semaphore, #tpu.memory_space<semaphore_mem>>
        %dma_start3A_16 = tpu.memref_slice %arg3[%add3A_11] : memref<163840xi32, #tpu.memory_space<hbm>> -> memref<128xi32, #tpu.memory_space<hbm>>
        %dma_start3A_17 = tpu.memref_slice %arg3[%add3A_11] : memref<163840xi32, #tpu.memory_space<hbm>> -> memref<128xi32, #tpu.memory_space<hbm>>
        tpu.enqueue_dma source(%dma_start3A_17 : memref<128xi32, #tpu.memory_space<hbm>>) target(%arg5 : memref<128xi32, #tpu.memory_space<vmem>>) target_semaphore(%run_scoped3A : memref<!tpu.dma_semaphore, #tpu.memory_space<semaphore_mem>>)
        %dma_wait3A_18 = tpu.memref_slice %arg3[%add3A_11] : memref<163840xi32, #tpu.memory_space<hbm>> -> memref<128xi32, #tpu.memory_space<hbm>>
        %dma_wait3A_19 = tpu.memref_slice %arg3[%add3A_11] : memref<163840xi32, #tpu.memory_space<hbm>> -> memref<128xi32, #tpu.memory_space<hbm>>
        tpu.wait_dma2 semaphore(%run_scoped3A : memref<!tpu.dma_semaphore, #tpu.memory_space<semaphore_mem>>) src(%dma_wait3A_19 : memref<128xi32, #tpu.memory_space<hbm>>) dst(%arg5 : memref<128xi32, #tpu.memory_space<vmem>>)
        tpu.yield
      }) : () -> ()
      %dma_start3A = arith.constant 0 : i32
      %dma_start3A_12 = arith.constant 0 : i32
      %dma_start3A_13 = tpu.memref_slice %arg2[%dma_start3A, %dma_start3A_12] : memref<10000x128xf32, #tpu.memory_space<hbm>> -> memref<10000x128xf32, #tpu.memory_space<hbm>>
      tpu.enqueue_indirect_dma source(%dma_start3A_13 : memref<10000x128xf32, #tpu.memory_space<hbm>>) target(%arg6 : memref<128x128xf32, #tpu.memory_space<vmem>>) offsets(%arg5 : memref<128xi32, #tpu.memory_space<vmem>>) semaphore(%arg7 : memref<!tpu.dma_semaphore, #tpu.memory_space<semaphore_mem>>)
      %dma_wait3A = arith.constant 0 : i32
      %dma_wait3A_14 = arith.constant 0 : i32
      %dma_wait3A_15 = tpu.memref_slice %arg2[%dma_wait3A, %dma_wait3A_14] : memref<10000x128xf32, #tpu.memory_space<hbm>> -> memref<10000x128xf32, #tpu.memory_space<hbm>>
      tpu.wait_indirect_dma semaphore(%arg7 : memref<!tpu.dma_semaphore, #tpu.memory_space<semaphore_mem>>) src(%dma_wait3A_15 : memref<10000x128xf32, #tpu.memory_space<hbm>>) dst(%arg6 : memref<128x128xf32, #tpu.memory_space<vmem>>)
      "tpu.region"() ({
        %run_scoped3A = tpu.sem_alloc : memref<!tpu.dma_semaphore, #tpu.memory_space<semaphore_mem>>
        %dma_start3A_16 = arith.constant 0 : i32
        %dma_start3A_17 = tpu.memref_slice %arg4[%add3A_11, %dma_start3A_16] : memref<163840x128xf32, #tpu.memory_space<hbm>> -> memref<128x128xf32, #tpu.memory_space<hbm>>
        %dma_start3A_18 = arith.constant 0 : i32
        %dma_start3A_19 = tpu.memref_slice %arg4[%add3A_11, %dma_start3A_18] : memref<163840x128xf32, #tpu.memory_space<hbm>> -> memref<128x128xf32, #tpu.memory_space<hbm>>
        tpu.enqueue_dma source(%arg6 : memref<128x128xf32, #tpu.memory_space<vmem>>) target(%dma_start3A_19 : memref<128x128xf32, #tpu.memory_space<hbm>>) target_semaphore(%run_scoped3A : memref<!tpu.dma_semaphore, #tpu.memory_space<semaphore_mem>>)
        %dma_wait3A_20 = arith.constant 0 : i32
        %dma_wait3A_21 = tpu.memref_slice %arg4[%add3A_11, %dma_wait3A_20] : memref<163840x128xf32, #tpu.memory_space<hbm>> -> memref<128x128xf32, #tpu.memory_space<hbm>>
        %dma_wait3A_22 = arith.constant 0 : i32
        %dma_wait3A_23 = tpu.memref_slice %arg4[%add3A_11, %dma_wait3A_22] : memref<163840x128xf32, #tpu.memory_space<hbm>> -> memref<128x128xf32, #tpu.memory_space<hbm>>
        tpu.wait_dma2 semaphore(%run_scoped3A : memref<!tpu.dma_semaphore, #tpu.memory_space<semaphore_mem>>) src(%arg6 : memref<128x128xf32, #tpu.memory_space<vmem>>) dst(%dma_wait3A_23 : memref<128x128xf32, #tpu.memory_space<hbm>>)
        tpu.yield
      }) : () -> ()
    }
    %scan3A_7 = arith.constant 40 : i32
    return
  }
}

#map = affine_map<(d0, d1) -> (0, 0)>
#map1 = affine_map<(d0, d1) -> (0)>
module attributes {stable_mosaic.version = 14 : i64} {
  func.func @gather_kernel(%arg0: i32, %arg1: i32, %arg2: memref<10000x128xf32, #tpu.memory_space<hbm>>, %arg3: memref<163840xi32, #tpu.memory_space<hbm>>, %arg4: memref<163840x128xf32, #tpu.memory_space<hbm>>, %arg5: memref<128xi32, #tpu.memory_space<vmem>>, %arg6: memref<128x128xf32, #tpu.memory_space<vmem>>, %arg7: memref<!tpu.dma_semaphore, #tpu.memory_space<semaphore_mem>>) attributes {dimension_semantics = [#tpu.dimension_semantics<core_parallel>, #tpu.dimension_semantics<subcore_parallel>], iteration_bounds = array<i64: 2, 16>, scalar_prefetch = 0 : i64, scratch_operands = 3 : i64, tpu.core_type = #tpu.core_type<sc_vector_subcore>, window_params = [{transform_indices = #map}, {transform_indices = #map1}, {transform_indices = #map}]} {
    %mul3A = arith.constant 2 : i32
    %mul3A_0 = arith.muli %arg1, %mul3A : i32
    %add3A = arith.addi %mul3A_0, %arg0 : i32
    %mul3A_1 = arith.constant 5120 : i32
    %mul3A_2 = arith.muli %add3A, %mul3A_1 : i32
    %scan3A = arith.constant 0 : i32
    %scan3A_3 = arith.constant 0 : i32
    %scan3A_4 = arith.constant 40 : i32
    %scan3A_5 = arith.addi %scan3A_3, %scan3A_4 : i32
    %scan3A_6 = arith.constant 1 : i32
    scf.for %scan3A_8 = %scan3A_3 to %scan3A_5 step %scan3A_6  : i32 {
      %mul3A_9 = arith.constant 128 : i32
      %mul3A_10 = arith.muli %scan3A_8, %mul3A_9 : i32
      %add3A_11 = arith.addi %mul3A_2, %mul3A_10 : i32
      "tpu.region"() ({
        %run_scoped3A = tpu.sem_alloc : memref<!tpu.dma_semaphore, #tpu.memory_space<semaphore_mem>>
        %dma_start3A_16 = tpu.memref_slice %arg3[%add3A_11] : memref<163840xi32, #tpu.memory_space<hbm>> -> memref<128xi32, #tpu.memory_space<hbm>>
        %dma_start3A_17 = tpu.memref_slice %arg3[%add3A_11] : memref<163840xi32, #tpu.memory_space<hbm>> -> memref<128xi32, #tpu.memory_space<hbm>>
        tpu.enqueue_dma source(%dma_start3A_17 : memref<128xi32, #tpu.memory_space<hbm>>) target(%arg5 : memref<128xi32, #tpu.memory_space<vmem>>) target_semaphore(%run_scoped3A : memref<!tpu.dma_semaphore, #tpu.memory_space<semaphore_mem>>)
        %dma_wait3A_18 = tpu.memref_slice %arg3[%add3A_11] : memref<163840xi32, #tpu.memory_space<hbm>> -> memref<128xi32, #tpu.memory_space<hbm>>
        %dma_wait3A_19 = tpu.memref_slice %arg3[%add3A_11] : memref<163840xi32, #tpu.memory_space<hbm>> -> memref<128xi32, #tpu.memory_space<hbm>>
        tpu.wait_dma2 semaphore(%run_scoped3A : memref<!tpu.dma_semaphore, #tpu.memory_space<semaphore_mem>>) src(%dma_wait3A_19 : memref<128xi32, #tpu.memory_space<hbm>>) dst(%arg5 : memref<128xi32, #tpu.memory_space<vmem>>)
        tpu.yield
      }) : () -> ()
      %dma_start3A = arith.constant 0 : i32
      %dma_start3A_12 = arith.constant 0 : i32
      %dma_start3A_13 = tpu.memref_slice %arg2[%dma_start3A, %dma_start3A_12] : memref<10000x128xf32, #tpu.memory_space<hbm>> -> memref<10000x128xf32, #tpu.memory_space<hbm>>
      tpu.enqueue_indirect_dma source(%dma_start3A_13 : memref<10000x128xf32, #tpu.memory_space<hbm>>) target(%arg6 : memref<128x128xf32, #tpu.memory_space<vmem>>) offsets(%arg5 : memref<128xi32, #tpu.memory_space<vmem>>) semaphore(%arg7 : memref<!tpu.dma_semaphore, #tpu.memory_space<semaphore_mem>>)
      %dma_wait3A = arith.constant 0 : i32
      %dma_wait3A_14 = arith.constant 0 : i32
      %dma_wait3A_15 = tpu.memref_slice %arg2[%dma_wait3A, %dma_wait3A_14] : memref<10000x128xf32, #tpu.memory_space<hbm>> -> memref<10000x128xf32, #tpu.memory_space<hbm>>
      tpu.wait_indirect_dma semaphore(%arg7 : memref<!tpu.dma_semaphore, #tpu.memory_space<semaphore_mem>>) src(%dma_wait3A_15 : memref<10000x128xf32, #tpu.memory_space<hbm>>) dst(%arg6 : memref<128x128xf32, #tpu.memory_space<vmem>>)
      "tpu.region"() ({
        %run_scoped3A = tpu.sem_alloc : memref<!tpu.dma_semaphore, #tpu.memory_space<semaphore_mem>>
        %dma_start3A_16 = arith.constant 0 : i32
        %dma_start3A_17 = tpu.memref_slice %arg4[%add3A_11, %dma_start3A_16] : memref<163840x128xf32, #tpu.memory_space<hbm>> -> memref<128x128xf32, #tpu.memory_space<hbm>>
        %dma_start3A_18 = arith.constant 0 : i32
        %dma_start3A_19 = tpu.memref_slice %arg4[%add3A_11, %dma_start3A_18] : memref<163840x128xf32, #tpu.memory_space<hbm>> -> memref<128x128xf32, #tpu.memory_space<hbm>>
        tpu.enqueue_dma source(%arg6 : memref<128x128xf32, #tpu.memory_space<vmem>>) target(%dma_start3A_19 : memref<128x128xf32, #tpu.memory_space<hbm>>) target_semaphore(%run_scoped3A : memref<!tpu.dma_semaphore, #tpu.memory_space<semaphore_mem>>)
        %dma_wait3A_20 = arith.constant 0 : i32
        %dma_wait3A_21 = tpu.memref_slice %arg4[%add3A_11, %dma_wait3A_20] : memref<163840x128xf32, #tpu.memory_space<hbm>> -> memref<128x128xf32, #tpu.memory_space<hbm>>
        %dma_wait3A_22 = arith.constant 0 : i32
        %dma_wait3A_23 = tpu.memref_slice %arg4[%add3A_11, %dma_wait3A_22] : memref<163840x128xf32, #tpu.memory_space<hbm>> -> memref<128x128xf32, #tpu.memory_space<hbm>>
        tpu.wait_dma2 semaphore(%run_scoped3A : memref<!tpu.dma_semaphore, #tpu.memory_space<semaphore_mem>>) src(%arg6 : memref<128x128xf32, #tpu.memory_space<vmem>>) dst(%dma_wait3A_23 : memref<128x128xf32, #tpu.memory_space<hbm>>)
        tpu.yield
      }) : () -> ()
    }
    %scan3A_7 = arith.constant 40 : i32
    return
  }
}

#map = affine_map<(d0, d1) -> (0, 0)>
#map1 = affine_map<(d0, d1) -> (0)>
module attributes {stable_mosaic.version = 14 : i64} {
  func.func @scatter_kernel(%arg0: i32, %arg1: i32, %arg2: memref<163840x128xf32, #tpu.memory_space<hbm>>, %arg3: memref<163840xi32, #tpu.memory_space<hbm>>, %arg4: memref<10000x128xf32, #tpu.memory_space<hbm>>, %arg5: memref<20000x128xf32, #tpu.memory_space<hbm>>, %arg6: memref<128xi32, #tpu.memory_space<vmem>>, %arg7: memref<128x128xf32, #tpu.memory_space<vmem>>, %arg8: memref<10000x128xf32, #tpu.memory_space<vmem_shared>>, %arg9: memref<!tpu.dma_semaphore, #tpu.memory_space<semaphore_mem>>) attributes {dimension_semantics = [#tpu.dimension_semantics<core_parallel>, #tpu.dimension_semantics<subcore_parallel>], iteration_bounds = array<i64: 2, 16>, scalar_prefetch = 0 : i64, scratch_operands = 4 : i64, tpu.core_type = #tpu.core_type<sc_vector_subcore>, window_params = [{transform_indices = #map}, {transform_indices = #map1}, {transform_indices = #map}, {transform_indices = #map}]} {
    %mul3A = arith.constant 2 : i32
    %mul3A_0 = arith.muli %arg1, %mul3A : i32
    %add3A = arith.addi %mul3A_0, %arg0 : i32
    %mul3A_1 = arith.constant 624 : i32
    %mul3A_2 = arith.muli %arg1, %mul3A_1 : i32
    "tpu.region"() ({
      %run_scoped3A = tpu.sem_alloc : memref<!tpu.dma_semaphore, #tpu.memory_space<semaphore_mem>>
      %dma_start3A = arith.constant 0 : i32
      %dma_start3A_21 = tpu.memref_slice %arg8[%mul3A_2, %dma_start3A] : memref<10000x128xf32, #tpu.memory_space<vmem_shared>> -> memref<624x128xf32, #tpu.memory_space<vmem_shared>>
      %dma_start3A_22 = arith.constant 0 : i32
      %dma_start3A_23 = tpu.memref_slice %arg4[%mul3A_2, %dma_start3A_22] : memref<10000x128xf32, #tpu.memory_space<hbm>> -> memref<624x128xf32, #tpu.memory_space<hbm>>
      tpu.enqueue_dma source(%dma_start3A_23 : memref<624x128xf32, #tpu.memory_space<hbm>>) target(%dma_start3A_21 : memref<624x128xf32, #tpu.memory_space<vmem_shared>>) target_semaphore(%run_scoped3A : memref<!tpu.dma_semaphore, #tpu.memory_space<semaphore_mem>>)
      %dma_wait3A = arith.constant 0 : i32
      %dma_wait3A_24 = tpu.memref_slice %arg8[%mul3A_2, %dma_wait3A] : memref<10000x128xf32, #tpu.memory_space<vmem_shared>> -> memref<624x128xf32, #tpu.memory_space<vmem_shared>>
      %dma_wait3A_25 = arith.constant 0 : i32
      %dma_wait3A_26 = tpu.memref_slice %arg4[%mul3A_2, %dma_wait3A_25] : memref<10000x128xf32, #tpu.memory_space<hbm>> -> memref<624x128xf32, #tpu.memory_space<hbm>>
      tpu.wait_dma2 semaphore(%run_scoped3A : memref<!tpu.dma_semaphore, #tpu.memory_space<semaphore_mem>>) src(%dma_wait3A_26 : memref<624x128xf32, #tpu.memory_space<hbm>>) dst(%dma_wait3A_24 : memref<624x128xf32, #tpu.memory_space<vmem_shared>>)
      tpu.yield
    }) : () -> ()
    %eq3A = arith.constant 0 : i32
    %eq3A_3 = arith.cmpi eq, %arg1, %eq3A : i32
    %convert_element_type3A = arith.extui %eq3A_3 : i1 to i32
    %cond3A = arith.constant 0 : i32
    %cond3A_4 = arith.cmpi ne, %convert_element_type3A, %cond3A : i32
    scf.if %cond3A_4 {
      "tpu.region"() ({
        %run_scoped3A = tpu.sem_alloc : memref<!tpu.dma_semaphore, #tpu.memory_space<semaphore_mem>>
        %dma_start3A = arith.constant 9984 : i32
        %dma_start3A_21 = arith.constant 0 : i32
        %dma_start3A_22 = tpu.memref_slice %arg8[%dma_start3A, %dma_start3A_21] : memref<10000x128xf32, #tpu.memory_space<vmem_shared>> -> memref<16x128xf32, #tpu.memory_space<vmem_shared>>
        %dma_start3A_23 = arith.constant 9984 : i32
        %dma_start3A_24 = arith.constant 0 : i32
        %dma_start3A_25 = tpu.memref_slice %arg4[%dma_start3A_23, %dma_start3A_24] : memref<10000x128xf32, #tpu.memory_space<hbm>> -> memref<16x128xf32, #tpu.memory_space<hbm>>
        tpu.enqueue_dma source(%dma_start3A_25 : memref<16x128xf32, #tpu.memory_space<hbm>>) target(%dma_start3A_22 : memref<16x128xf32, #tpu.memory_space<vmem_shared>>) target_semaphore(%run_scoped3A : memref<!tpu.dma_semaphore, #tpu.memory_space<semaphore_mem>>)
        %dma_wait3A = arith.constant 9984 : i32
        %dma_wait3A_26 = arith.constant 0 : i32
        %dma_wait3A_27 = tpu.memref_slice %arg8[%dma_wait3A, %dma_wait3A_26] : memref<10000x128xf32, #tpu.memory_space<vmem_shared>> -> memref<16x128xf32, #tpu.memory_space<vmem_shared>>
        %dma_wait3A_28 = arith.constant 9984 : i32
        %dma_wait3A_29 = arith.constant 0 : i32
        %dma_wait3A_30 = tpu.memref_slice %arg4[%dma_wait3A_28, %dma_wait3A_29] : memref<10000x128xf32, #tpu.memory_space<hbm>> -> memref<16x128xf32, #tpu.memory_space<hbm>>
        tpu.wait_dma2 semaphore(%run_scoped3A : memref<!tpu.dma_semaphore, #tpu.memory_space<semaphore_mem>>) src(%dma_wait3A_30 : memref<16x128xf32, #tpu.memory_space<hbm>>) dst(%dma_wait3A_27 : memref<16x128xf32, #tpu.memory_space<vmem_shared>>)
        tpu.yield
      }) : () -> ()
    } else {
    }
    %barrier3A = arith.constant 0 : index
    tpu.barrier barrier_id(%barrier3A)
    %mul3A_5 = arith.constant 5120 : i32
    %mul3A_6 = arith.muli %add3A, %mul3A_5 : i32
    %scan3A = arith.constant 0 : i32
    %scan3A_7 = arith.constant 0 : i32
    %scan3A_8 = arith.constant 40 : i32
    %scan3A_9 = arith.addi %scan3A_7, %scan3A_8 : i32
    %scan3A_10 = arith.constant 1 : i32
    scf.for %scan3A_21 = %scan3A_7 to %scan3A_9 step %scan3A_10  : i32 {
      %mul3A_22 = arith.constant 128 : i32
      %mul3A_23 = arith.muli %scan3A_21, %mul3A_22 : i32
      %add3A_24 = arith.addi %mul3A_6, %mul3A_23 : i32
      "tpu.region"() ({
        %run_scoped3A = tpu.sem_alloc : memref<!tpu.dma_semaphore, #tpu.memory_space<semaphore_mem>>
        %dma_start3A = tpu.memref_slice %arg3[%add3A_24] : memref<163840xi32, #tpu.memory_space<hbm>> -> memref<128xi32, #tpu.memory_space<hbm>>
        %dma_start3A_25 = tpu.memref_slice %arg3[%add3A_24] : memref<163840xi32, #tpu.memory_space<hbm>> -> memref<128xi32, #tpu.memory_space<hbm>>
        tpu.enqueue_dma source(%dma_start3A_25 : memref<128xi32, #tpu.memory_space<hbm>>) target(%arg6 : memref<128xi32, #tpu.memory_space<vmem>>) target_semaphore(%run_scoped3A : memref<!tpu.dma_semaphore, #tpu.memory_space<semaphore_mem>>)
        %dma_wait3A = tpu.memref_slice %arg3[%add3A_24] : memref<163840xi32, #tpu.memory_space<hbm>> -> memref<128xi32, #tpu.memory_space<hbm>>
        %dma_wait3A_26 = tpu.memref_slice %arg3[%add3A_24] : memref<163840xi32, #tpu.memory_space<hbm>> -> memref<128xi32, #tpu.memory_space<hbm>>
        tpu.wait_dma2 semaphore(%run_scoped3A : memref<!tpu.dma_semaphore, #tpu.memory_space<semaphore_mem>>) src(%dma_wait3A_26 : memref<128xi32, #tpu.memory_space<hbm>>) dst(%arg6 : memref<128xi32, #tpu.memory_space<vmem>>)
        tpu.yield
      }) : () -> ()
      "tpu.region"() ({
        %run_scoped3A = tpu.sem_alloc : memref<!tpu.dma_semaphore, #tpu.memory_space<semaphore_mem>>
        %dma_start3A = arith.constant 0 : i32
        %dma_start3A_25 = tpu.memref_slice %arg2[%add3A_24, %dma_start3A] : memref<163840x128xf32, #tpu.memory_space<hbm>> -> memref<128x128xf32, #tpu.memory_space<hbm>>
        %dma_start3A_26 = arith.constant 0 : i32
        %dma_start3A_27 = tpu.memref_slice %arg2[%add3A_24, %dma_start3A_26] : memref<163840x128xf32, #tpu.memory_space<hbm>> -> memref<128x128xf32, #tpu.memory_space<hbm>>
        tpu.enqueue_dma source(%dma_start3A_27 : memref<128x128xf32, #tpu.memory_space<hbm>>) target(%arg7 : memref<128x128xf32, #tpu.memory_space<vmem>>) target_semaphore(%run_scoped3A : memref<!tpu.dma_semaphore, #tpu.memory_space<semaphore_mem>>)
        %dma_wait3A = arith.constant 0 : i32
        %dma_wait3A_28 = tpu.memref_slice %arg2[%add3A_24, %dma_wait3A] : memref<163840x128xf32, #tpu.memory_space<hbm>> -> memref<128x128xf32, #tpu.memory_space<hbm>>
        %dma_wait3A_29 = arith.constant 0 : i32
        %dma_wait3A_30 = tpu.memref_slice %arg2[%add3A_24, %dma_wait3A_29] : memref<163840x128xf32, #tpu.memory_space<hbm>> -> memref<128x128xf32, #tpu.memory_space<hbm>>
        tpu.wait_dma2 semaphore(%run_scoped3A : memref<!tpu.dma_semaphore, #tpu.memory_space<semaphore_mem>>) src(%dma_wait3A_30 : memref<128x128xf32, #tpu.memory_space<hbm>>) dst(%arg7 : memref<128x128xf32, #tpu.memory_space<vmem>>)
        tpu.yield
      }) : () -> ()
      "tpu.region"() ({
        %run_scoped3A = tpu.sem_alloc : memref<!tpu.dma_semaphore, #tpu.memory_space<semaphore_mem>>
        %dma_start3A = arith.constant 0 : i32
        %dma_start3A_25 = arith.constant 0 : i32
        %dma_start3A_26 = tpu.memref_slice %arg8[%dma_start3A, %dma_start3A_25] : memref<10000x128xf32, #tpu.memory_space<vmem_shared>> -> memref<10000x128xf32, #tpu.memory_space<vmem_shared>>
        tpu.enqueue_indirect_dma source(%arg7 : memref<128x128xf32, #tpu.memory_space<vmem>>) target(%dma_start3A_26 : memref<10000x128xf32, #tpu.memory_space<vmem_shared>>) offsets(%arg6 : memref<128xi32, #tpu.memory_space<vmem>>) semaphore(%run_scoped3A : memref<!tpu.dma_semaphore, #tpu.memory_space<semaphore_mem>>) {add = true}
        %dma_wait3A = arith.constant 0 : i32
        %dma_wait3A_27 = arith.constant 0 : i32
        %dma_wait3A_28 = tpu.memref_slice %arg8[%dma_wait3A, %dma_wait3A_27] : memref<10000x128xf32, #tpu.memory_space<vmem_shared>> -> memref<10000x128xf32, #tpu.memory_space<vmem_shared>>
        tpu.wait_indirect_dma semaphore(%run_scoped3A : memref<!tpu.dma_semaphore, #tpu.memory_space<semaphore_mem>>) src(%arg7 : memref<128x128xf32, #tpu.memory_space<vmem>>) dst(%dma_wait3A_28 : memref<10000x128xf32, #tpu.memory_space<vmem_shared>>)
        tpu.yield
      }) : () -> ()
    }
    %scan3A_11 = arith.constant 40 : i32
    %barrier3A_12 = arith.constant 0 : index
    tpu.barrier barrier_id(%barrier3A_12)
    %mul3A_13 = arith.constant 10000 : i32
    %mul3A_14 = arith.muli %arg0, %mul3A_13 : i32
    %add3A_15 = arith.addi %mul3A_14, %mul3A_2 : i32
    "tpu.region"() ({
      %run_scoped3A = tpu.sem_alloc : memref<!tpu.dma_semaphore, #tpu.memory_space<semaphore_mem>>
      %dma_start3A = arith.constant 0 : i32
      %dma_start3A_21 = tpu.memref_slice %arg5[%add3A_15, %dma_start3A] : memref<20000x128xf32, #tpu.memory_space<hbm>> -> memref<624x128xf32, #tpu.memory_space<hbm>>
      %dma_start3A_22 = arith.constant 0 : i32
      %dma_start3A_23 = tpu.memref_slice %arg8[%mul3A_2, %dma_start3A_22] : memref<10000x128xf32, #tpu.memory_space<vmem_shared>> -> memref<624x128xf32, #tpu.memory_space<vmem_shared>>
      tpu.enqueue_dma source(%dma_start3A_23 : memref<624x128xf32, #tpu.memory_space<vmem_shared>>) target(%dma_start3A_21 : memref<624x128xf32, #tpu.memory_space<hbm>>) target_semaphore(%run_scoped3A : memref<!tpu.dma_semaphore, #tpu.memory_space<semaphore_mem>>)
      %dma_wait3A = arith.constant 0 : i32
      %dma_wait3A_24 = tpu.memref_slice %arg5[%add3A_15, %dma_wait3A] : memref<20000x128xf32, #tpu.memory_space<hbm>> -> memref<624x128xf32, #tpu.memory_space<hbm>>
      %dma_wait3A_25 = arith.constant 0 : i32
      %dma_wait3A_26 = tpu.memref_slice %arg8[%mul3A_2, %dma_wait3A_25] : memref<10000x128xf32, #tpu.memory_space<vmem_shared>> -> memref<624x128xf32, #tpu.memory_space<vmem_shared>>
      tpu.wait_dma2 semaphore(%run_scoped3A : memref<!tpu.dma_semaphore, #tpu.memory_space<semaphore_mem>>) src(%dma_wait3A_26 : memref<624x128xf32, #tpu.memory_space<vmem_shared>>) dst(%dma_wait3A_24 : memref<624x128xf32, #tpu.memory_space<hbm>>)
      tpu.yield
    }) : () -> ()
    %eq3A_16 = arith.constant 0 : i32
    %eq3A_17 = arith.cmpi eq, %arg1, %eq3A_16 : i32
    %convert_element_type3A_18 = arith.extui %eq3A_17 : i1 to i32
    %cond3A_19 = arith.constant 0 : i32
    %cond3A_20 = arith.cmpi ne, %convert_element_type3A_18, %cond3A_19 : i32
    scf.if %cond3A_20 {
      %mul3A_21 = arith.constant 10000 : i32
      %mul3A_22 = arith.muli %arg0, %mul3A_21 : i32
      %add3A_23 = arith.constant 9984 : i32
      %add3A_24 = arith.addi %mul3A_22, %add3A_23 : i32
      "tpu.region"() ({
        %run_scoped3A = tpu.sem_alloc : memref<!tpu.dma_semaphore, #tpu.memory_space<semaphore_mem>>
        %dma_start3A = arith.constant 0 : i32
        %dma_start3A_25 = tpu.memref_slice %arg5[%add3A_24, %dma_start3A] : memref<20000x128xf32, #tpu.memory_space<hbm>> -> memref<16x128xf32, #tpu.memory_space<hbm>>
        %dma_start3A_26 = arith.constant 9984 : i32
        %dma_start3A_27 = arith.constant 0 : i32
        %dma_start3A_28 = tpu.memref_slice %arg8[%dma_start3A_26, %dma_start3A_27] : memref<10000x128xf32, #tpu.memory_space<vmem_shared>> -> memref<16x128xf32, #tpu.memory_space<vmem_shared>>
        tpu.enqueue_dma source(%dma_start3A_28 : memref<16x128xf32, #tpu.memory_space<vmem_shared>>) target(%dma_start3A_25 : memref<16x128xf32, #tpu.memory_space<hbm>>) target_semaphore(%run_scoped3A : memref<!tpu.dma_semaphore, #tpu.memory_space<semaphore_mem>>)
        %dma_wait3A = arith.constant 0 : i32
        %dma_wait3A_29 = tpu.memref_slice %arg5[%add3A_24, %dma_wait3A] : memref<20000x128xf32, #tpu.memory_space<hbm>> -> memref<16x128xf32, #tpu.memory_space<hbm>>
        %dma_wait3A_30 = arith.constant 9984 : i32
        %dma_wait3A_31 = arith.constant 0 : i32
        %dma_wait3A_32 = tpu.memref_slice %arg8[%dma_wait3A_30, %dma_wait3A_31] : memref<10000x128xf32, #tpu.memory_space<vmem_shared>> -> memref<16x128xf32, #tpu.memory_space<vmem_shared>>
        tpu.wait_dma2 semaphore(%run_scoped3A : memref<!tpu.dma_semaphore, #tpu.memory_space<semaphore_mem>>) src(%dma_wait3A_32 : memref<16x128xf32, #tpu.memory_space<vmem_shared>>) dst(%dma_wait3A_29 : memref<16x128xf32, #tpu.memory_space<hbm>>)
        tpu.yield
      }) : () -> ()
    } else {
    }
    return
  }
}

#map = affine_map<(d0, d1) -> (0, 0)>
#map1 = affine_map<(d0, d1) -> (0)>
module attributes {stable_mosaic.version = 14 : i64} {
  func.func @scatter_kernel(%arg0: i32, %arg1: i32, %arg2: memref<163840x128xf32, #tpu.memory_space<hbm>>, %arg3: memref<163840xi32, #tpu.memory_space<hbm>>, %arg4: memref<10000x128xf32, #tpu.memory_space<hbm>>, %arg5: memref<20000x128xf32, #tpu.memory_space<hbm>>, %arg6: memref<128xi32, #tpu.memory_space<vmem>>, %arg7: memref<128x128xf32, #tpu.memory_space<vmem>>, %arg8: memref<10000x128xf32, #tpu.memory_space<vmem_shared>>, %arg9: memref<!tpu.dma_semaphore, #tpu.memory_space<semaphore_mem>>) attributes {dimension_semantics = [#tpu.dimension_semantics<core_parallel>, #tpu.dimension_semantics<subcore_parallel>], iteration_bounds = array<i64: 2, 16>, scalar_prefetch = 0 : i64, scratch_operands = 4 : i64, tpu.core_type = #tpu.core_type<sc_vector_subcore>, window_params = [{transform_indices = #map}, {transform_indices = #map1}, {transform_indices = #map}, {transform_indices = #map}]} {
    %mul3A = arith.constant 2 : i32
    %mul3A_0 = arith.muli %arg1, %mul3A : i32
    %add3A = arith.addi %mul3A_0, %arg0 : i32
    %mul3A_1 = arith.constant 624 : i32
    %mul3A_2 = arith.muli %arg1, %mul3A_1 : i32
    "tpu.region"() ({
      %run_scoped3A = tpu.sem_alloc : memref<!tpu.dma_semaphore, #tpu.memory_space<semaphore_mem>>
      %dma_start3A = arith.constant 0 : i32
      %dma_start3A_21 = tpu.memref_slice %arg8[%mul3A_2, %dma_start3A] : memref<10000x128xf32, #tpu.memory_space<vmem_shared>> -> memref<624x128xf32, #tpu.memory_space<vmem_shared>>
      %dma_start3A_22 = arith.constant 0 : i32
      %dma_start3A_23 = tpu.memref_slice %arg4[%mul3A_2, %dma_start3A_22] : memref<10000x128xf32, #tpu.memory_space<hbm>> -> memref<624x128xf32, #tpu.memory_space<hbm>>
      tpu.enqueue_dma source(%dma_start3A_23 : memref<624x128xf32, #tpu.memory_space<hbm>>) target(%dma_start3A_21 : memref<624x128xf32, #tpu.memory_space<vmem_shared>>) target_semaphore(%run_scoped3A : memref<!tpu.dma_semaphore, #tpu.memory_space<semaphore_mem>>)
      %dma_wait3A = arith.constant 0 : i32
      %dma_wait3A_24 = tpu.memref_slice %arg8[%mul3A_2, %dma_wait3A] : memref<10000x128xf32, #tpu.memory_space<vmem_shared>> -> memref<624x128xf32, #tpu.memory_space<vmem_shared>>
      %dma_wait3A_25 = arith.constant 0 : i32
      %dma_wait3A_26 = tpu.memref_slice %arg4[%mul3A_2, %dma_wait3A_25] : memref<10000x128xf32, #tpu.memory_space<hbm>> -> memref<624x128xf32, #tpu.memory_space<hbm>>
      tpu.wait_dma2 semaphore(%run_scoped3A : memref<!tpu.dma_semaphore, #tpu.memory_space<semaphore_mem>>) src(%dma_wait3A_26 : memref<624x128xf32, #tpu.memory_space<hbm>>) dst(%dma_wait3A_24 : memref<624x128xf32, #tpu.memory_space<vmem_shared>>)
      tpu.yield
    }) : () -> ()
    %eq3A = arith.constant 0 : i32
    %eq3A_3 = arith.cmpi eq, %arg1, %eq3A : i32
    %convert_element_type3A = arith.extui %eq3A_3 : i1 to i32
    %cond3A = arith.constant 0 : i32
    %cond3A_4 = arith.cmpi ne, %convert_element_type3A, %cond3A : i32
    scf.if %cond3A_4 {
      "tpu.region"() ({
        %run_scoped3A = tpu.sem_alloc : memref<!tpu.dma_semaphore, #tpu.memory_space<semaphore_mem>>
        %dma_start3A = arith.constant 9984 : i32
        %dma_start3A_21 = arith.constant 0 : i32
        %dma_start3A_22 = tpu.memref_slice %arg8[%dma_start3A, %dma_start3A_21] : memref<10000x128xf32, #tpu.memory_space<vmem_shared>> -> memref<16x128xf32, #tpu.memory_space<vmem_shared>>
        %dma_start3A_23 = arith.constant 9984 : i32
        %dma_start3A_24 = arith.constant 0 : i32
        %dma_start3A_25 = tpu.memref_slice %arg4[%dma_start3A_23, %dma_start3A_24] : memref<10000x128xf32, #tpu.memory_space<hbm>> -> memref<16x128xf32, #tpu.memory_space<hbm>>
        tpu.enqueue_dma source(%dma_start3A_25 : memref<16x128xf32, #tpu.memory_space<hbm>>) target(%dma_start3A_22 : memref<16x128xf32, #tpu.memory_space<vmem_shared>>) target_semaphore(%run_scoped3A : memref<!tpu.dma_semaphore, #tpu.memory_space<semaphore_mem>>)
        %dma_wait3A = arith.constant 9984 : i32
        %dma_wait3A_26 = arith.constant 0 : i32
        %dma_wait3A_27 = tpu.memref_slice %arg8[%dma_wait3A, %dma_wait3A_26] : memref<10000x128xf32, #tpu.memory_space<vmem_shared>> -> memref<16x128xf32, #tpu.memory_space<vmem_shared>>
        %dma_wait3A_28 = arith.constant 9984 : i32
        %dma_wait3A_29 = arith.constant 0 : i32
        %dma_wait3A_30 = tpu.memref_slice %arg4[%dma_wait3A_28, %dma_wait3A_29] : memref<10000x128xf32, #tpu.memory_space<hbm>> -> memref<16x128xf32, #tpu.memory_space<hbm>>
        tpu.wait_dma2 semaphore(%run_scoped3A : memref<!tpu.dma_semaphore, #tpu.memory_space<semaphore_mem>>) src(%dma_wait3A_30 : memref<16x128xf32, #tpu.memory_space<hbm>>) dst(%dma_wait3A_27 : memref<16x128xf32, #tpu.memory_space<vmem_shared>>)
        tpu.yield
      }) : () -> ()
    } else {
    }
    %barrier3A = arith.constant 0 : index
    tpu.barrier barrier_id(%barrier3A)
    %mul3A_5 = arith.constant 5120 : i32
    %mul3A_6 = arith.muli %add3A, %mul3A_5 : i32
    %scan3A = arith.constant 0 : i32
    %scan3A_7 = arith.constant 0 : i32
    %scan3A_8 = arith.constant 40 : i32
    %scan3A_9 = arith.addi %scan3A_7, %scan3A_8 : i32
    %scan3A_10 = arith.constant 1 : i32
    scf.for %scan3A_21 = %scan3A_7 to %scan3A_9 step %scan3A_10  : i32 {
      %mul3A_22 = arith.constant 128 : i32
      %mul3A_23 = arith.muli %scan3A_21, %mul3A_22 : i32
      %add3A_24 = arith.addi %mul3A_6, %mul3A_23 : i32
      "tpu.region"() ({
        %run_scoped3A = tpu.sem_alloc : memref<!tpu.dma_semaphore, #tpu.memory_space<semaphore_mem>>
        %dma_start3A = tpu.memref_slice %arg3[%add3A_24] : memref<163840xi32, #tpu.memory_space<hbm>> -> memref<128xi32, #tpu.memory_space<hbm>>
        %dma_start3A_25 = tpu.memref_slice %arg3[%add3A_24] : memref<163840xi32, #tpu.memory_space<hbm>> -> memref<128xi32, #tpu.memory_space<hbm>>
        tpu.enqueue_dma source(%dma_start3A_25 : memref<128xi32, #tpu.memory_space<hbm>>) target(%arg6 : memref<128xi32, #tpu.memory_space<vmem>>) target_semaphore(%run_scoped3A : memref<!tpu.dma_semaphore, #tpu.memory_space<semaphore_mem>>)
        %dma_wait3A = tpu.memref_slice %arg3[%add3A_24] : memref<163840xi32, #tpu.memory_space<hbm>> -> memref<128xi32, #tpu.memory_space<hbm>>
        %dma_wait3A_26 = tpu.memref_slice %arg3[%add3A_24] : memref<163840xi32, #tpu.memory_space<hbm>> -> memref<128xi32, #tpu.memory_space<hbm>>
        tpu.wait_dma2 semaphore(%run_scoped3A : memref<!tpu.dma_semaphore, #tpu.memory_space<semaphore_mem>>) src(%dma_wait3A_26 : memref<128xi32, #tpu.memory_space<hbm>>) dst(%arg6 : memref<128xi32, #tpu.memory_space<vmem>>)
        tpu.yield
      }) : () -> ()
      "tpu.region"() ({
        %run_scoped3A = tpu.sem_alloc : memref<!tpu.dma_semaphore, #tpu.memory_space<semaphore_mem>>
        %dma_start3A = arith.constant 0 : i32
        %dma_start3A_25 = tpu.memref_slice %arg2[%add3A_24, %dma_start3A] : memref<163840x128xf32, #tpu.memory_space<hbm>> -> memref<128x128xf32, #tpu.memory_space<hbm>>
        %dma_start3A_26 = arith.constant 0 : i32
        %dma_start3A_27 = tpu.memref_slice %arg2[%add3A_24, %dma_start3A_26] : memref<163840x128xf32, #tpu.memory_space<hbm>> -> memref<128x128xf32, #tpu.memory_space<hbm>>
        tpu.enqueue_dma source(%dma_start3A_27 : memref<128x128xf32, #tpu.memory_space<hbm>>) target(%arg7 : memref<128x128xf32, #tpu.memory_space<vmem>>) target_semaphore(%run_scoped3A : memref<!tpu.dma_semaphore, #tpu.memory_space<semaphore_mem>>)
        %dma_wait3A = arith.constant 0 : i32
        %dma_wait3A_28 = tpu.memref_slice %arg2[%add3A_24, %dma_wait3A] : memref<163840x128xf32, #tpu.memory_space<hbm>> -> memref<128x128xf32, #tpu.memory_space<hbm>>
        %dma_wait3A_29 = arith.constant 0 : i32
        %dma_wait3A_30 = tpu.memref_slice %arg2[%add3A_24, %dma_wait3A_29] : memref<163840x128xf32, #tpu.memory_space<hbm>> -> memref<128x128xf32, #tpu.memory_space<hbm>>
        tpu.wait_dma2 semaphore(%run_scoped3A : memref<!tpu.dma_semaphore, #tpu.memory_space<semaphore_mem>>) src(%dma_wait3A_30 : memref<128x128xf32, #tpu.memory_space<hbm>>) dst(%arg7 : memref<128x128xf32, #tpu.memory_space<vmem>>)
        tpu.yield
      }) : () -> ()
      "tpu.region"() ({
        %run_scoped3A = tpu.sem_alloc : memref<!tpu.dma_semaphore, #tpu.memory_space<semaphore_mem>>
        %dma_start3A = arith.constant 0 : i32
        %dma_start3A_25 = arith.constant 0 : i32
        %dma_start3A_26 = tpu.memref_slice %arg8[%dma_start3A, %dma_start3A_25] : memref<10000x128xf32, #tpu.memory_space<vmem_shared>> -> memref<10000x128xf32, #tpu.memory_space<vmem_shared>>
        tpu.enqueue_indirect_dma source(%arg7 : memref<128x128xf32, #tpu.memory_space<vmem>>) target(%dma_start3A_26 : memref<10000x128xf32, #tpu.memory_space<vmem_shared>>) offsets(%arg6 : memref<128xi32, #tpu.memory_space<vmem>>) semaphore(%run_scoped3A : memref<!tpu.dma_semaphore, #tpu.memory_space<semaphore_mem>>) {add = true}
        %dma_wait3A = arith.constant 0 : i32
        %dma_wait3A_27 = arith.constant 0 : i32
        %dma_wait3A_28 = tpu.memref_slice %arg8[%dma_wait3A, %dma_wait3A_27] : memref<10000x128xf32, #tpu.memory_space<vmem_shared>> -> memref<10000x128xf32, #tpu.memory_space<vmem_shared>>
        tpu.wait_indirect_dma semaphore(%run_scoped3A : memref<!tpu.dma_semaphore, #tpu.memory_space<semaphore_mem>>) src(%arg7 : memref<128x128xf32, #tpu.memory_space<vmem>>) dst(%dma_wait3A_28 : memref<10000x128xf32, #tpu.memory_space<vmem_shared>>)
        tpu.yield
      }) : () -> ()
    }
    %scan3A_11 = arith.constant 40 : i32
    %barrier3A_12 = arith.constant 0 : index
    tpu.barrier barrier_id(%barrier3A_12)
    %mul3A_13 = arith.constant 10000 : i32
    %mul3A_14 = arith.muli %arg0, %mul3A_13 : i32
    %add3A_15 = arith.addi %mul3A_14, %mul3A_2 : i32
    "tpu.region"() ({
      %run_scoped3A = tpu.sem_alloc : memref<!tpu.dma_semaphore, #tpu.memory_space<semaphore_mem>>
      %dma_start3A = arith.constant 0 : i32
      %dma_start3A_21 = tpu.memref_slice %arg5[%add3A_15, %dma_start3A] : memref<20000x128xf32, #tpu.memory_space<hbm>> -> memref<624x128xf32, #tpu.memory_space<hbm>>
      %dma_start3A_22 = arith.constant 0 : i32
      %dma_start3A_23 = tpu.memref_slice %arg8[%mul3A_2, %dma_start3A_22] : memref<10000x128xf32, #tpu.memory_space<vmem_shared>> -> memref<624x128xf32, #tpu.memory_space<vmem_shared>>
      tpu.enqueue_dma source(%dma_start3A_23 : memref<624x128xf32, #tpu.memory_space<vmem_shared>>) target(%dma_start3A_21 : memref<624x128xf32, #tpu.memory_space<hbm>>) target_semaphore(%run_scoped3A : memref<!tpu.dma_semaphore, #tpu.memory_space<semaphore_mem>>)
      %dma_wait3A = arith.constant 0 : i32
      %dma_wait3A_24 = tpu.memref_slice %arg5[%add3A_15, %dma_wait3A] : memref<20000x128xf32, #tpu.memory_space<hbm>> -> memref<624x128xf32, #tpu.memory_space<hbm>>
      %dma_wait3A_25 = arith.constant 0 : i32
      %dma_wait3A_26 = tpu.memref_slice %arg8[%mul3A_2, %dma_wait3A_25] : memref<10000x128xf32, #tpu.memory_space<vmem_shared>> -> memref<624x128xf32, #tpu.memory_space<vmem_shared>>
      tpu.wait_dma2 semaphore(%run_scoped3A : memref<!tpu.dma_semaphore, #tpu.memory_space<semaphore_mem>>) src(%dma_wait3A_26 : memref<624x128xf32, #tpu.memory_space<vmem_shared>>) dst(%dma_wait3A_24 : memref<624x128xf32, #tpu.memory_space<hbm>>)
      tpu.yield
    }) : () -> ()
    %eq3A_16 = arith.constant 0 : i32
    %eq3A_17 = arith.cmpi eq, %arg1, %eq3A_16 : i32
    %convert_element_type3A_18 = arith.extui %eq3A_17 : i1 to i32
    %cond3A_19 = arith.constant 0 : i32
    %cond3A_20 = arith.cmpi ne, %convert_element_type3A_18, %cond3A_19 : i32
    scf.if %cond3A_20 {
      %mul3A_21 = arith.constant 10000 : i32
      %mul3A_22 = arith.muli %arg0, %mul3A_21 : i32
      %add3A_23 = arith.constant 9984 : i32
      %add3A_24 = arith.addi %mul3A_22, %add3A_23 : i32
      "tpu.region"() ({
        %run_scoped3A = tpu.sem_alloc : memref<!tpu.dma_semaphore, #tpu.memory_space<semaphore_mem>>
        %dma_start3A = arith.constant 0 : i32
        %dma_start3A_25 = tpu.memref_slice %arg5[%add3A_24, %dma_start3A] : memref<20000x128xf32, #tpu.memory_space<hbm>> -> memref<16x128xf32, #tpu.memory_space<hbm>>
        %dma_start3A_26 = arith.constant 9984 : i32
        %dma_start3A_27 = arith.constant 0 : i32
        %dma_start3A_28 = tpu.memref_slice %arg8[%dma_start3A_26, %dma_start3A_27] : memref<10000x128xf32, #tpu.memory_space<vmem_shared>> -> memref<16x128xf32, #tpu.memory_space<vmem_shared>>
        tpu.enqueue_dma source(%dma_start3A_28 : memref<16x128xf32, #tpu.memory_space<vmem_shared>>) target(%dma_start3A_25 : memref<16x128xf32, #tpu.memory_space<hbm>>) target_semaphore(%run_scoped3A : memref<!tpu.dma_semaphore, #tpu.memory_space<semaphore_mem>>)
        %dma_wait3A = arith.constant 0 : i32
        %dma_wait3A_29 = tpu.memref_slice %arg5[%add3A_24, %dma_wait3A] : memref<20000x128xf32, #tpu.memory_space<hbm>> -> memref<16x128xf32, #tpu.memory_space<hbm>>
        %dma_wait3A_30 = arith.constant 9984 : i32
        %dma_wait3A_31 = arith.constant 0 : i32
        %dma_wait3A_32 = tpu.memref_slice %arg8[%dma_wait3A_30, %dma_wait3A_31] : memref<10000x128xf32, #tpu.memory_space<vmem_shared>> -> memref<16x128xf32, #tpu.memory_space<vmem_shared>>
        tpu.wait_dma2 semaphore(%run_scoped3A : memref<!tpu.dma_semaphore, #tpu.memory_space<semaphore_mem>>) src(%dma_wait3A_32 : memref<16x128xf32, #tpu.memory_space<vmem_shared>>) dst(%dma_wait3A_29 : memref<16x128xf32, #tpu.memory_space<hbm>>)
        tpu.yield
      }) : () -> ()
    } else {
    }
    return
  }
}

#map = affine_map<(d0, d1) -> (0, 0)>
#map1 = affine_map<(d0, d1) -> (0)>
module attributes {stable_mosaic.version = 14 : i64} {
  func.func @gather_kernel(%arg0: i32, %arg1: i32, %arg2: memref<10000x128xf32, #tpu.memory_space<hbm>>, %arg3: memref<163840xi32, #tpu.memory_space<hbm>>, %arg4: memref<163840x128xf32, #tpu.memory_space<hbm>>, %arg5: memref<128xi32, #tpu.memory_space<vmem>>, %arg6: memref<128x128xf32, #tpu.memory_space<vmem>>, %arg7: memref<!tpu.dma_semaphore, #tpu.memory_space<semaphore_mem>>) attributes {dimension_semantics = [#tpu.dimension_semantics<core_parallel>, #tpu.dimension_semantics<subcore_parallel>], iteration_bounds = array<i64: 2, 16>, scalar_prefetch = 0 : i64, scratch_operands = 3 : i64, tpu.core_type = #tpu.core_type<sc_vector_subcore>, window_params = [{transform_indices = #map}, {transform_indices = #map1}, {transform_indices = #map}]} {
    %mul3A = arith.constant 2 : i32
    %mul3A_0 = arith.muli %arg1, %mul3A : i32
    %add3A = arith.addi %mul3A_0, %arg0 : i32
    %mul3A_1 = arith.constant 5120 : i32
    %mul3A_2 = arith.muli %add3A, %mul3A_1 : i32
    %scan3A = arith.constant 0 : i32
    %scan3A_3 = arith.constant 0 : i32
    %scan3A_4 = arith.constant 40 : i32
    %scan3A_5 = arith.addi %scan3A_3, %scan3A_4 : i32
    %scan3A_6 = arith.constant 1 : i32
    scf.for %scan3A_8 = %scan3A_3 to %scan3A_5 step %scan3A_6  : i32 {
      %mul3A_9 = arith.constant 128 : i32
      %mul3A_10 = arith.muli %scan3A_8, %mul3A_9 : i32
      %add3A_11 = arith.addi %mul3A_2, %mul3A_10 : i32
      "tpu.region"() ({
        %run_scoped3A = tpu.sem_alloc : memref<!tpu.dma_semaphore, #tpu.memory_space<semaphore_mem>>
        %dma_start3A_16 = tpu.memref_slice %arg3[%add3A_11] : memref<163840xi32, #tpu.memory_space<hbm>> -> memref<128xi32, #tpu.memory_space<hbm>>
        %dma_start3A_17 = tpu.memref_slice %arg3[%add3A_11] : memref<163840xi32, #tpu.memory_space<hbm>> -> memref<128xi32, #tpu.memory_space<hbm>>
        tpu.enqueue_dma source(%dma_start3A_17 : memref<128xi32, #tpu.memory_space<hbm>>) target(%arg5 : memref<128xi32, #tpu.memory_space<vmem>>) target_semaphore(%run_scoped3A : memref<!tpu.dma_semaphore, #tpu.memory_space<semaphore_mem>>)
        %dma_wait3A_18 = tpu.memref_slice %arg3[%add3A_11] : memref<163840xi32, #tpu.memory_space<hbm>> -> memref<128xi32, #tpu.memory_space<hbm>>
        %dma_wait3A_19 = tpu.memref_slice %arg3[%add3A_11] : memref<163840xi32, #tpu.memory_space<hbm>> -> memref<128xi32, #tpu.memory_space<hbm>>
        tpu.wait_dma2 semaphore(%run_scoped3A : memref<!tpu.dma_semaphore, #tpu.memory_space<semaphore_mem>>) src(%dma_wait3A_19 : memref<128xi32, #tpu.memory_space<hbm>>) dst(%arg5 : memref<128xi32, #tpu.memory_space<vmem>>)
        tpu.yield
      }) : () -> ()
      %dma_start3A = arith.constant 0 : i32
      %dma_start3A_12 = arith.constant 0 : i32
      %dma_start3A_13 = tpu.memref_slice %arg2[%dma_start3A, %dma_start3A_12] : memref<10000x128xf32, #tpu.memory_space<hbm>> -> memref<10000x128xf32, #tpu.memory_space<hbm>>
      tpu.enqueue_indirect_dma source(%dma_start3A_13 : memref<10000x128xf32, #tpu.memory_space<hbm>>) target(%arg6 : memref<128x128xf32, #tpu.memory_space<vmem>>) offsets(%arg5 : memref<128xi32, #tpu.memory_space<vmem>>) semaphore(%arg7 : memref<!tpu.dma_semaphore, #tpu.memory_space<semaphore_mem>>)
      %dma_wait3A = arith.constant 0 : i32
      %dma_wait3A_14 = arith.constant 0 : i32
      %dma_wait3A_15 = tpu.memref_slice %arg2[%dma_wait3A, %dma_wait3A_14] : memref<10000x128xf32, #tpu.memory_space<hbm>> -> memref<10000x128xf32, #tpu.memory_space<hbm>>
      tpu.wait_indirect_dma semaphore(%arg7 : memref<!tpu.dma_semaphore, #tpu.memory_space<semaphore_mem>>) src(%dma_wait3A_15 : memref<10000x128xf32, #tpu.memory_space<hbm>>) dst(%arg6 : memref<128x128xf32, #tpu.memory_space<vmem>>)
      "tpu.region"() ({
        %run_scoped3A = tpu.sem_alloc : memref<!tpu.dma_semaphore, #tpu.memory_space<semaphore_mem>>
        %dma_start3A_16 = arith.constant 0 : i32
        %dma_start3A_17 = tpu.memref_slice %arg4[%add3A_11, %dma_start3A_16] : memref<163840x128xf32, #tpu.memory_space<hbm>> -> memref<128x128xf32, #tpu.memory_space<hbm>>
        %dma_start3A_18 = arith.constant 0 : i32
        %dma_start3A_19 = tpu.memref_slice %arg4[%add3A_11, %dma_start3A_18] : memref<163840x128xf32, #tpu.memory_space<hbm>> -> memref<128x128xf32, #tpu.memory_space<hbm>>
        tpu.enqueue_dma source(%arg6 : memref<128x128xf32, #tpu.memory_space<vmem>>) target(%dma_start3A_19 : memref<128x128xf32, #tpu.memory_space<hbm>>) target_semaphore(%run_scoped3A : memref<!tpu.dma_semaphore, #tpu.memory_space<semaphore_mem>>)
        %dma_wait3A_20 = arith.constant 0 : i32
        %dma_wait3A_21 = tpu.memref_slice %arg4[%add3A_11, %dma_wait3A_20] : memref<163840x128xf32, #tpu.memory_space<hbm>> -> memref<128x128xf32, #tpu.memory_space<hbm>>
        %dma_wait3A_22 = arith.constant 0 : i32
        %dma_wait3A_23 = tpu.memref_slice %arg4[%add3A_11, %dma_wait3A_22] : memref<163840x128xf32, #tpu.memory_space<hbm>> -> memref<128x128xf32, #tpu.memory_space<hbm>>
        tpu.wait_dma2 semaphore(%run_scoped3A : memref<!tpu.dma_semaphore, #tpu.memory_space<semaphore_mem>>) src(%arg6 : memref<128x128xf32, #tpu.memory_space<vmem>>) dst(%dma_wait3A_23 : memref<128x128xf32, #tpu.memory_space<hbm>>)
        tpu.yield
      }) : () -> ()
    }
    %scan3A_7 = arith.constant 40 : i32
    return
  }
}

#map = affine_map<(d0, d1) -> (0, 0)>
#map1 = affine_map<(d0, d1) -> (0)>
module attributes {stable_mosaic.version = 14 : i64} {
  func.func @scatter_kernel(%arg0: i32, %arg1: i32, %arg2: memref<163840x128xf32, #tpu.memory_space<hbm>>, %arg3: memref<163840xi32, #tpu.memory_space<hbm>>, %arg4: memref<10000x128xf32, #tpu.memory_space<hbm>>, %arg5: memref<20000x128xf32, #tpu.memory_space<hbm>>, %arg6: memref<128xi32, #tpu.memory_space<vmem>>, %arg7: memref<128x128xf32, #tpu.memory_space<vmem>>, %arg8: memref<10000x128xf32, #tpu.memory_space<vmem_shared>>, %arg9: memref<!tpu.dma_semaphore, #tpu.memory_space<semaphore_mem>>) attributes {dimension_semantics = [#tpu.dimension_semantics<core_parallel>, #tpu.dimension_semantics<subcore_parallel>], iteration_bounds = array<i64: 2, 16>, scalar_prefetch = 0 : i64, scratch_operands = 4 : i64, tpu.core_type = #tpu.core_type<sc_vector_subcore>, window_params = [{transform_indices = #map}, {transform_indices = #map1}, {transform_indices = #map}, {transform_indices = #map}]} {
    %mul3A = arith.constant 2 : i32
    %mul3A_0 = arith.muli %arg1, %mul3A : i32
    %add3A = arith.addi %mul3A_0, %arg0 : i32
    %mul3A_1 = arith.constant 624 : i32
    %mul3A_2 = arith.muli %arg1, %mul3A_1 : i32
    "tpu.region"() ({
      %run_scoped3A = tpu.sem_alloc : memref<!tpu.dma_semaphore, #tpu.memory_space<semaphore_mem>>
      %dma_start3A = arith.constant 0 : i32
      %dma_start3A_21 = tpu.memref_slice %arg8[%mul3A_2, %dma_start3A] : memref<10000x128xf32, #tpu.memory_space<vmem_shared>> -> memref<624x128xf32, #tpu.memory_space<vmem_shared>>
      %dma_start3A_22 = arith.constant 0 : i32
      %dma_start3A_23 = tpu.memref_slice %arg4[%mul3A_2, %dma_start3A_22] : memref<10000x128xf32, #tpu.memory_space<hbm>> -> memref<624x128xf32, #tpu.memory_space<hbm>>
      tpu.enqueue_dma source(%dma_start3A_23 : memref<624x128xf32, #tpu.memory_space<hbm>>) target(%dma_start3A_21 : memref<624x128xf32, #tpu.memory_space<vmem_shared>>) target_semaphore(%run_scoped3A : memref<!tpu.dma_semaphore, #tpu.memory_space<semaphore_mem>>)
      %dma_wait3A = arith.constant 0 : i32
      %dma_wait3A_24 = tpu.memref_slice %arg8[%mul3A_2, %dma_wait3A] : memref<10000x128xf32, #tpu.memory_space<vmem_shared>> -> memref<624x128xf32, #tpu.memory_space<vmem_shared>>
      %dma_wait3A_25 = arith.constant 0 : i32
      %dma_wait3A_26 = tpu.memref_slice %arg4[%mul3A_2, %dma_wait3A_25] : memref<10000x128xf32, #tpu.memory_space<hbm>> -> memref<624x128xf32, #tpu.memory_space<hbm>>
      tpu.wait_dma2 semaphore(%run_scoped3A : memref<!tpu.dma_semaphore, #tpu.memory_space<semaphore_mem>>) src(%dma_wait3A_26 : memref<624x128xf32, #tpu.memory_space<hbm>>) dst(%dma_wait3A_24 : memref<624x128xf32, #tpu.memory_space<vmem_shared>>)
      tpu.yield
    }) : () -> ()
    %eq3A = arith.constant 0 : i32
    %eq3A_3 = arith.cmpi eq, %arg1, %eq3A : i32
    %convert_element_type3A = arith.extui %eq3A_3 : i1 to i32
    %cond3A = arith.constant 0 : i32
    %cond3A_4 = arith.cmpi ne, %convert_element_type3A, %cond3A : i32
    scf.if %cond3A_4 {
      "tpu.region"() ({
        %run_scoped3A = tpu.sem_alloc : memref<!tpu.dma_semaphore, #tpu.memory_space<semaphore_mem>>
        %dma_start3A = arith.constant 9984 : i32
        %dma_start3A_21 = arith.constant 0 : i32
        %dma_start3A_22 = tpu.memref_slice %arg8[%dma_start3A, %dma_start3A_21] : memref<10000x128xf32, #tpu.memory_space<vmem_shared>> -> memref<16x128xf32, #tpu.memory_space<vmem_shared>>
        %dma_start3A_23 = arith.constant 9984 : i32
        %dma_start3A_24 = arith.constant 0 : i32
        %dma_start3A_25 = tpu.memref_slice %arg4[%dma_start3A_23, %dma_start3A_24] : memref<10000x128xf32, #tpu.memory_space<hbm>> -> memref<16x128xf32, #tpu.memory_space<hbm>>
        tpu.enqueue_dma source(%dma_start3A_25 : memref<16x128xf32, #tpu.memory_space<hbm>>) target(%dma_start3A_22 : memref<16x128xf32, #tpu.memory_space<vmem_shared>>) target_semaphore(%run_scoped3A : memref<!tpu.dma_semaphore, #tpu.memory_space<semaphore_mem>>)
        %dma_wait3A = arith.constant 9984 : i32
        %dma_wait3A_26 = arith.constant 0 : i32
        %dma_wait3A_27 = tpu.memref_slice %arg8[%dma_wait3A, %dma_wait3A_26] : memref<10000x128xf32, #tpu.memory_space<vmem_shared>> -> memref<16x128xf32, #tpu.memory_space<vmem_shared>>
        %dma_wait3A_28 = arith.constant 9984 : i32
        %dma_wait3A_29 = arith.constant 0 : i32
        %dma_wait3A_30 = tpu.memref_slice %arg4[%dma_wait3A_28, %dma_wait3A_29] : memref<10000x128xf32, #tpu.memory_space<hbm>> -> memref<16x128xf32, #tpu.memory_space<hbm>>
        tpu.wait_dma2 semaphore(%run_scoped3A : memref<!tpu.dma_semaphore, #tpu.memory_space<semaphore_mem>>) src(%dma_wait3A_30 : memref<16x128xf32, #tpu.memory_space<hbm>>) dst(%dma_wait3A_27 : memref<16x128xf32, #tpu.memory_space<vmem_shared>>)
        tpu.yield
      }) : () -> ()
    } else {
    }
    %barrier3A = arith.constant 0 : index
    tpu.barrier barrier_id(%barrier3A)
    %mul3A_5 = arith.constant 5120 : i32
    %mul3A_6 = arith.muli %add3A, %mul3A_5 : i32
    %scan3A = arith.constant 0 : i32
    %scan3A_7 = arith.constant 0 : i32
    %scan3A_8 = arith.constant 40 : i32
    %scan3A_9 = arith.addi %scan3A_7, %scan3A_8 : i32
    %scan3A_10 = arith.constant 1 : i32
    scf.for %scan3A_21 = %scan3A_7 to %scan3A_9 step %scan3A_10  : i32 {
      %mul3A_22 = arith.constant 128 : i32
      %mul3A_23 = arith.muli %scan3A_21, %mul3A_22 : i32
      %add3A_24 = arith.addi %mul3A_6, %mul3A_23 : i32
      "tpu.region"() ({
        %run_scoped3A = tpu.sem_alloc : memref<!tpu.dma_semaphore, #tpu.memory_space<semaphore_mem>>
        %dma_start3A = tpu.memref_slice %arg3[%add3A_24] : memref<163840xi32, #tpu.memory_space<hbm>> -> memref<128xi32, #tpu.memory_space<hbm>>
        %dma_start3A_25 = tpu.memref_slice %arg3[%add3A_24] : memref<163840xi32, #tpu.memory_space<hbm>> -> memref<128xi32, #tpu.memory_space<hbm>>
        tpu.enqueue_dma source(%dma_start3A_25 : memref<128xi32, #tpu.memory_space<hbm>>) target(%arg6 : memref<128xi32, #tpu.memory_space<vmem>>) target_semaphore(%run_scoped3A : memref<!tpu.dma_semaphore, #tpu.memory_space<semaphore_mem>>)
        %dma_wait3A = tpu.memref_slice %arg3[%add3A_24] : memref<163840xi32, #tpu.memory_space<hbm>> -> memref<128xi32, #tpu.memory_space<hbm>>
        %dma_wait3A_26 = tpu.memref_slice %arg3[%add3A_24] : memref<163840xi32, #tpu.memory_space<hbm>> -> memref<128xi32, #tpu.memory_space<hbm>>
        tpu.wait_dma2 semaphore(%run_scoped3A : memref<!tpu.dma_semaphore, #tpu.memory_space<semaphore_mem>>) src(%dma_wait3A_26 : memref<128xi32, #tpu.memory_space<hbm>>) dst(%arg6 : memref<128xi32, #tpu.memory_space<vmem>>)
        tpu.yield
      }) : () -> ()
      "tpu.region"() ({
        %run_scoped3A = tpu.sem_alloc : memref<!tpu.dma_semaphore, #tpu.memory_space<semaphore_mem>>
        %dma_start3A = arith.constant 0 : i32
        %dma_start3A_25 = tpu.memref_slice %arg2[%add3A_24, %dma_start3A] : memref<163840x128xf32, #tpu.memory_space<hbm>> -> memref<128x128xf32, #tpu.memory_space<hbm>>
        %dma_start3A_26 = arith.constant 0 : i32
        %dma_start3A_27 = tpu.memref_slice %arg2[%add3A_24, %dma_start3A_26] : memref<163840x128xf32, #tpu.memory_space<hbm>> -> memref<128x128xf32, #tpu.memory_space<hbm>>
        tpu.enqueue_dma source(%dma_start3A_27 : memref<128x128xf32, #tpu.memory_space<hbm>>) target(%arg7 : memref<128x128xf32, #tpu.memory_space<vmem>>) target_semaphore(%run_scoped3A : memref<!tpu.dma_semaphore, #tpu.memory_space<semaphore_mem>>)
        %dma_wait3A = arith.constant 0 : i32
        %dma_wait3A_28 = tpu.memref_slice %arg2[%add3A_24, %dma_wait3A] : memref<163840x128xf32, #tpu.memory_space<hbm>> -> memref<128x128xf32, #tpu.memory_space<hbm>>
        %dma_wait3A_29 = arith.constant 0 : i32
        %dma_wait3A_30 = tpu.memref_slice %arg2[%add3A_24, %dma_wait3A_29] : memref<163840x128xf32, #tpu.memory_space<hbm>> -> memref<128x128xf32, #tpu.memory_space<hbm>>
        tpu.wait_dma2 semaphore(%run_scoped3A : memref<!tpu.dma_semaphore, #tpu.memory_space<semaphore_mem>>) src(%dma_wait3A_30 : memref<128x128xf32, #tpu.memory_space<hbm>>) dst(%arg7 : memref<128x128xf32, #tpu.memory_space<vmem>>)
        tpu.yield
      }) : () -> ()
      "tpu.region"() ({
        %run_scoped3A = tpu.sem_alloc : memref<!tpu.dma_semaphore, #tpu.memory_space<semaphore_mem>>
        %dma_start3A = arith.constant 0 : i32
        %dma_start3A_25 = arith.constant 0 : i32
        %dma_start3A_26 = tpu.memref_slice %arg8[%dma_start3A, %dma_start3A_25] : memref<10000x128xf32, #tpu.memory_space<vmem_shared>> -> memref<10000x128xf32, #tpu.memory_space<vmem_shared>>
        tpu.enqueue_indirect_dma source(%arg7 : memref<128x128xf32, #tpu.memory_space<vmem>>) target(%dma_start3A_26 : memref<10000x128xf32, #tpu.memory_space<vmem_shared>>) offsets(%arg6 : memref<128xi32, #tpu.memory_space<vmem>>) semaphore(%run_scoped3A : memref<!tpu.dma_semaphore, #tpu.memory_space<semaphore_mem>>) {add = true}
        %dma_wait3A = arith.constant 0 : i32
        %dma_wait3A_27 = arith.constant 0 : i32
        %dma_wait3A_28 = tpu.memref_slice %arg8[%dma_wait3A, %dma_wait3A_27] : memref<10000x128xf32, #tpu.memory_space<vmem_shared>> -> memref<10000x128xf32, #tpu.memory_space<vmem_shared>>
        tpu.wait_indirect_dma semaphore(%run_scoped3A : memref<!tpu.dma_semaphore, #tpu.memory_space<semaphore_mem>>) src(%arg7 : memref<128x128xf32, #tpu.memory_space<vmem>>) dst(%dma_wait3A_28 : memref<10000x128xf32, #tpu.memory_space<vmem_shared>>)
        tpu.yield
      }) : () -> ()
    }
    %scan3A_11 = arith.constant 40 : i32
    %barrier3A_12 = arith.constant 0 : index
    tpu.barrier barrier_id(%barrier3A_12)
    %mul3A_13 = arith.constant 10000 : i32
    %mul3A_14 = arith.muli %arg0, %mul3A_13 : i32
    %add3A_15 = arith.addi %mul3A_14, %mul3A_2 : i32
    "tpu.region"() ({
      %run_scoped3A = tpu.sem_alloc : memref<!tpu.dma_semaphore, #tpu.memory_space<semaphore_mem>>
      %dma_start3A = arith.constant 0 : i32
      %dma_start3A_21 = tpu.memref_slice %arg5[%add3A_15, %dma_start3A] : memref<20000x128xf32, #tpu.memory_space<hbm>> -> memref<624x128xf32, #tpu.memory_space<hbm>>
      %dma_start3A_22 = arith.constant 0 : i32
      %dma_start3A_23 = tpu.memref_slice %arg8[%mul3A_2, %dma_start3A_22] : memref<10000x128xf32, #tpu.memory_space<vmem_shared>> -> memref<624x128xf32, #tpu.memory_space<vmem_shared>>
      tpu.enqueue_dma source(%dma_start3A_23 : memref<624x128xf32, #tpu.memory_space<vmem_shared>>) target(%dma_start3A_21 : memref<624x128xf32, #tpu.memory_space<hbm>>) target_semaphore(%run_scoped3A : memref<!tpu.dma_semaphore, #tpu.memory_space<semaphore_mem>>)
      %dma_wait3A = arith.constant 0 : i32
      %dma_wait3A_24 = tpu.memref_slice %arg5[%add3A_15, %dma_wait3A] : memref<20000x128xf32, #tpu.memory_space<hbm>> -> memref<624x128xf32, #tpu.memory_space<hbm>>
      %dma_wait3A_25 = arith.constant 0 : i32
      %dma_wait3A_26 = tpu.memref_slice %arg8[%mul3A_2, %dma_wait3A_25] : memref<10000x128xf32, #tpu.memory_space<vmem_shared>> -> memref<624x128xf32, #tpu.memory_space<vmem_shared>>
      tpu.wait_dma2 semaphore(%run_scoped3A : memref<!tpu.dma_semaphore, #tpu.memory_space<semaphore_mem>>) src(%dma_wait3A_26 : memref<624x128xf32, #tpu.memory_space<vmem_shared>>) dst(%dma_wait3A_24 : memref<624x128xf32, #tpu.memory_space<hbm>>)
      tpu.yield
    }) : () -> ()
    %eq3A_16 = arith.constant 0 : i32
    %eq3A_17 = arith.cmpi eq, %arg1, %eq3A_16 : i32
    %convert_element_type3A_18 = arith.extui %eq3A_17 : i1 to i32
    %cond3A_19 = arith.constant 0 : i32
    %cond3A_20 = arith.cmpi ne, %convert_element_type3A_18, %cond3A_19 : i32
    scf.if %cond3A_20 {
      %mul3A_21 = arith.constant 10000 : i32
      %mul3A_22 = arith.muli %arg0, %mul3A_21 : i32
      %add3A_23 = arith.constant 9984 : i32
      %add3A_24 = arith.addi %mul3A_22, %add3A_23 : i32
      "tpu.region"() ({
        %run_scoped3A = tpu.sem_alloc : memref<!tpu.dma_semaphore, #tpu.memory_space<semaphore_mem>>
        %dma_start3A = arith.constant 0 : i32
        %dma_start3A_25 = tpu.memref_slice %arg5[%add3A_24, %dma_start3A] : memref<20000x128xf32, #tpu.memory_space<hbm>> -> memref<16x128xf32, #tpu.memory_space<hbm>>
        %dma_start3A_26 = arith.constant 9984 : i32
        %dma_start3A_27 = arith.constant 0 : i32
        %dma_start3A_28 = tpu.memref_slice %arg8[%dma_start3A_26, %dma_start3A_27] : memref<10000x128xf32, #tpu.memory_space<vmem_shared>> -> memref<16x128xf32, #tpu.memory_space<vmem_shared>>
        tpu.enqueue_dma source(%dma_start3A_28 : memref<16x128xf32, #tpu.memory_space<vmem_shared>>) target(%dma_start3A_25 : memref<16x128xf32, #tpu.memory_space<hbm>>) target_semaphore(%run_scoped3A : memref<!tpu.dma_semaphore, #tpu.memory_space<semaphore_mem>>)
        %dma_wait3A = arith.constant 0 : i32
        %dma_wait3A_29 = tpu.memref_slice %arg5[%add3A_24, %dma_wait3A] : memref<20000x128xf32, #tpu.memory_space<hbm>> -> memref<16x128xf32, #tpu.memory_space<hbm>>
        %dma_wait3A_30 = arith.constant 9984 : i32
        %dma_wait3A_31 = arith.constant 0 : i32
        %dma_wait3A_32 = tpu.memref_slice %arg8[%dma_wait3A_30, %dma_wait3A_31] : memref<10000x128xf32, #tpu.memory_space<vmem_shared>> -> memref<16x128xf32, #tpu.memory_space<vmem_shared>>
        tpu.wait_dma2 semaphore(%run_scoped3A : memref<!tpu.dma_semaphore, #tpu.memory_space<semaphore_mem>>) src(%dma_wait3A_32 : memref<16x128xf32, #tpu.memory_space<vmem_shared>>) dst(%dma_wait3A_29 : memref<16x128xf32, #tpu.memory_space<hbm>>)
        tpu.yield
      }) : () -> ()
    } else {
    }
    return
  }
}

module attributes {stable_mosaic.version = 14 : i64} {
  func.func @body(%arg0: i32, %arg1: memref<1024x128xf32, #tpu.memory_space<vmem>>, %arg2: memref<1024x12xf32, #tpu.memory_space<vmem>>, %arg3: memref<1536x256xbf16, #tpu.memory_space<vmem>>, %arg4: memref<12x256xf32, #tpu.memory_space<vmem>>, %arg5: memref<12x1536xbf16, #tpu.memory_space<vmem>>, %arg6: memref<1024x128xf32, #tpu.memory_space<vmem>>) attributes {dimension_semantics = [#tpu.dimension_semantics<arbitrary>], iteration_bounds = array<i64: 160>, scalar_prefetch = 0 : i64, scratch_operands = 0 : i64, tpu.core_type = #tpu.core_type<tc>, window_params = [{transform_indices = @transform_0, window_bounds = array<i64: 1024, 128>}, {transform_indices = @transform_1, window_bounds = array<i64: 1024, 12>}, {pipeline_mode = #tpu.pipeline_mode<synchronous>, transform_indices = @transform_2, window_bounds = array<i64: 1536, 256>}, {pipeline_mode = #tpu.pipeline_mode<synchronous>, transform_indices = @transform_3, window_bounds = array<i64: 12, 256>}, {pipeline_mode = #tpu.pipeline_mode<synchronous>, transform_indices = @transform_4, window_bounds = array<i64: 12, 1536>}, {transform_indices = @transform_5, window_bounds = array<i64: 1024, 128>}]} {
    %get3A = arith.constant 0 : index
    %get3A_0 = arith.constant 0 : index
    %get3A_1 = vector.load %arg1[%get3A, %get3A_0] : memref<1024x128xf32, #tpu.memory_space<vmem>>, vector<1024x128xf32>
    %get3A_2 = arith.constant 0 : index
    %get3A_3 = arith.constant 0 : index
    %get3A_4 = vector.load %arg2[%get3A_2, %get3A_3] : memref<1024x12xf32, #tpu.memory_space<vmem>>, vector<1024x12xf32>
    %convert_element_type3A = arith.truncf %get3A_4 : vector<1024x12xf32> to vector<1024x12xbf16>
    %broadcast_in_dim3A = vector.shape_cast %convert_element_type3A : vector<1024x12xbf16> to vector<1024x12x1xbf16>
    %broadcast_in_dim3A_5 = vector.shape_cast %broadcast_in_dim3A : vector<1024x12x1xbf16> to vector<1024x12x1xbf16>
    %broadcast_in_dim3A_6 = vector.broadcast %broadcast_in_dim3A_5 : vector<1024x12x1xbf16> to vector<1024x12x128xbf16>
    %reshape3A = vector.shape_cast %broadcast_in_dim3A_6 : vector<1024x12x128xbf16> to vector<1024x1536xbf16>
    %convert_element_type3A_7 = arith.truncf %get3A_1 : vector<1024x128xf32> to vector<1024x128xbf16>
    %tile3A = tpu.concatenate %convert_element_type3A_7, %convert_element_type3A_7, %convert_element_type3A_7, %convert_element_type3A_7, %convert_element_type3A_7, %convert_element_type3A_7, %convert_element_type3A_7, %convert_element_type3A_7, %convert_element_type3A_7, %convert_element_type3A_7, %convert_element_type3A_7, %convert_element_type3A_7 in 1 : vector<1024x128xbf16>, vector<1024x128xbf16>, vector<1024x128xbf16>, vector<1024x128xbf16>, vector<1024x128xbf16>, vector<1024x128xbf16>, vector<1024x128xbf16>, vector<1024x128xbf16>, vector<1024x128xbf16>, vector<1024x128xbf16>, vector<1024x128xbf16>, vector<1024x128xbf16> -> vector<1024x1536xbf16>
    %mul3A = arith.mulf %reshape3A, %tile3A : vector<1024x1536xbf16>
    %get3A_8 = arith.constant 0 : index
    %get3A_9 = arith.constant 0 : index
    %get3A_10 = vector.load %arg3[%get3A_8, %get3A_9] : memref<1536x256xbf16, #tpu.memory_space<vmem>>, vector<1536x256xbf16>
    %dot_general3A = arith.constant dense<0.000000e+00> : vector<1024x256xf32>
    %dot_general3A_11 = tpu.matmul %mul3A, %get3A_10, %dot_general3A {dimension_numbers = #tpu.dot_dimension_numbers<[1], [0], [0], [1], [0, 0, 1, 1], [], []>, transpose_lhs_hint = false} : vector<1024x1536xbf16>, vector<1536x256xbf16>, vector<1024x256xf32> -> vector<1024x256xf32>
    %get3A_12 = arith.constant 0 : index
    %get3A_13 = arith.constant 0 : index
    %get3A_14 = vector.load %arg4[%get3A_12, %get3A_13] : memref<12x256xf32, #tpu.memory_space<vmem>>, vector<12x256xf32>
    %dot_general3A_15 = arith.constant dense<0.000000e+00> : vector<1024x256xf32>
    %dot_general3A_16 = tpu.matmul %get3A_4, %get3A_14, %dot_general3A_15 {dimension_numbers = #tpu.dot_dimension_numbers<[1], [0], [0], [1], [0, 0, 1, 1], [], []>, transpose_lhs_hint = false} : vector<1024x12xf32>, vector<12x256xf32>, vector<1024x256xf32> -> vector<1024x256xf32>
    %add3A = arith.addf %dot_general3A_11, %dot_general3A_16 : vector<1024x256xf32>
    %slice3A = vector.extract_strided_slice %add3A {offsets = [0, 0], sizes = [1024, 64], strides = [1, 1]} : vector<1024x256xf32> to vector<1024x64xf32>
    %slice3A_17 = vector.extract_strided_slice %add3A {offsets = [0, 64], sizes = [1024, 64], strides = [1, 1]} : vector<1024x256xf32> to vector<1024x64xf32>
    %slice3A_18 = vector.extract_strided_slice %add3A {offsets = [0, 128], sizes = [1024, 128], strides = [1, 1]} : vector<1024x256xf32> to vector<1024x128xf32>
    %gt3A = arith.constant 0.000000e+00 : f32
    %gt3A_19 = vector.broadcast %gt3A : f32 to vector<1024x64xf32>
    %gt3A_20 = arith.cmpf ogt, %slice3A, %gt3A_19 : vector<1024x64xf32>
    %exp3A = math.exp %slice3A : vector<1024x64xf32>
    %sub3A = arith.constant 1.000000e+00 : f32
    %sub3A_21 = vector.broadcast %sub3A : f32 to vector<1024x64xf32>
    %sub3A_22 = arith.subf %exp3A, %sub3A_21 : vector<1024x64xf32>
    %mul3A_23 = arith.constant 1.67326319 : f32
    %mul3A_24 = vector.broadcast %mul3A_23 : f32 to vector<1024x64xf32>
    %mul3A_25 = arith.mulf %mul3A_24, %sub3A_22 : vector<1024x64xf32>
    %select_n3A = arith.select %gt3A_20, %slice3A, %mul3A_25 : vector<1024x64xi1>, vector<1024x64xf32>
    %mul3A_26 = arith.constant 1.05070102 : f32
    %mul3A_27 = vector.broadcast %mul3A_26 : f32 to vector<1024x64xf32>
    %mul3A_28 = arith.mulf %mul3A_27, %select_n3A : vector<1024x64xf32>
    %mul3A_29 = arith.mulf %mul3A_28, %slice3A_17 : vector<1024x64xf32>
    %reduce_sum3A = arith.constant dense<0.000000e+00> : vector<1024xf32>
    %reduce_sum3A_30 = vector.multi_reduction <add>, %mul3A_29, %reduce_sum3A [1] : vector<1024x64xf32> to vector<1024xf32>
    %broadcast_in_dim3A_31 = vector.shape_cast %reduce_sum3A_30 : vector<1024xf32> to vector<1024x1xf32>
    %reduce_sum3A_32 = arith.constant dense<0.000000e+00> : vector<1024xf32>
    %reduce_sum3A_33 = vector.multi_reduction <add>, %get3A_4, %reduce_sum3A_32 [1] : vector<1024x12xf32> to vector<1024xf32>
    %broadcast_in_dim3A_34 = vector.shape_cast %reduce_sum3A_33 : vector<1024xf32> to vector<1024x1xf32>
    %div3A = arith.constant 1.200000e+01 : f32
    %div3A_35 = vector.broadcast %div3A : f32 to vector<1024x1xf32>
    %div3A_36 = arith.divf %broadcast_in_dim3A_34, %div3A_35 : vector<1024x1xf32>
    %exp3A_37 = math.exp %broadcast_in_dim3A_31 : vector<1024x1xf32>
    %mul3A_38 = arith.mulf %div3A_36, %exp3A_37 : vector<1024x1xf32>
    %mul3A_39 = vector.broadcast %mul3A_38 : vector<1024x1xf32> to vector<1024x128xf32>
    %mul3A_40 = arith.mulf %mul3A_39, %slice3A_18 : vector<1024x128xf32>
    %swap3A = arith.constant 0 : index
    %swap3A_41 = arith.constant 0 : index
    %swap3A_42 = vector.load %arg6[%swap3A, %swap3A_41] : memref<1024x128xf32, #tpu.memory_space<vmem>>, vector<1024x128xf32>
    tpu.vector_store %arg6[%swap3A, %swap3A_41], %mul3A_40 {strides = array<i32>} : memref<1024x128xf32, #tpu.memory_space<vmem>>, vector<1024x128xf32>,
    return
  }
  func.func @transform_0(%arg0: i32) -> (i32, i32) {
    %c0_i32 = arith.constant 0 : i32
    %c0_i32_0 = arith.constant 0 : i32
    return %arg0, %c0_i32 : i32, i32
  }
  func.func @transform_1(%arg0: i32) -> (i32, i32) {
    %c0_i32 = arith.constant 0 : i32
    %c0_i32_0 = arith.constant 0 : i32
    return %arg0, %c0_i32 : i32, i32
  }
  func.func @transform_2(%arg0: i32) -> (i32, i32) {
    %c0_i32 = arith.constant 0 : i32
    %c0_i32_0 = arith.constant 0 : i32
    %c0_i32_1 = arith.constant 0 : i32
    return %c0_i32, %c0_i32_0 : i32, i32
  }
  func.func @transform_3(%arg0: i32) -> (i32, i32) {
    %c0_i32 = arith.constant 0 : i32
    %c0_i32_0 = arith.constant 0 : i32
    %c0_i32_1 = arith.constant 0 : i32
    return %c0_i32, %c0_i32_0 : i32, i32
  }
  func.func @transform_4(%arg0: i32) -> (i32, i32) {
    %c0_i32 = arith.constant 0 : i32
    %c0_i32_0 = arith.constant 0 : i32
    %c0_i32_1 = arith.constant 0 : i32
    return %c0_i32, %c0_i32_0 : i32, i32
  }
  func.func @transform_5(%arg0: i32) -> (i32, i32) {
    %c0_i32 = arith.constant 0 : i32
    %c0_i32_0 = arith.constant 0 : i32
    return %arg0, %c0_i32 : i32, i32
  }
}

module attributes {stable_mosaic.version = 14 : i64} {
  func.func @body(%arg0: i32, %arg1: memref<2x1000x128xf32, #tpu.memory_space<vmem>>, %arg2: memref<1000x128xf32, #tpu.memory_space<vmem>>, %arg3: memref<1000x128xf32, #tpu.memory_space<vmem>>, %arg4: memref<1000x128xf32, #tpu.memory_space<vmem>>) attributes {dimension_semantics = [#tpu.dimension_semantics<arbitrary>], iteration_bounds = array<i64: 10>, scalar_prefetch = 0 : i64, scratch_operands = 0 : i64, tpu.core_type = #tpu.core_type<tc>, window_params = [{transform_indices = @transform_0, window_bounds = array<i64: 2, 1000, 128>}, {transform_indices = @transform_1, window_bounds = array<i64: 1000, 128>}, {transform_indices = @transform_2, window_bounds = array<i64: 1000, 128>}, {transform_indices = @transform_3, window_bounds = array<i64: 1000, 128>}]} {
    %get3A = arith.constant 0 : index
    %get3A_0 = arith.constant 0 : index
    %get3A_1 = arith.constant 0 : index
    %get3A_2 = vector.load %arg1[%get3A, %get3A_0, %get3A_1] : memref<2x1000x128xf32, #tpu.memory_space<vmem>>, vector<1x1000x128xf32>
    %get3A_3 = vector.shape_cast %get3A_2 : vector<1x1000x128xf32> to vector<1000x128xf32>
    %get3A_4 = arith.constant 1 : index
    %get3A_5 = arith.constant 0 : index
    %get3A_6 = arith.constant 0 : index
    %get3A_7 = vector.load %arg1[%get3A_4, %get3A_5, %get3A_6] : memref<2x1000x128xf32, #tpu.memory_space<vmem>>, vector<1x1000x128xf32>
    %get3A_8 = vector.shape_cast %get3A_7 : vector<1x1000x128xf32> to vector<1000x128xf32>
    %add3A = arith.addf %get3A_3, %get3A_8 : vector<1000x128xf32>
    %mul3A = arith.mulf %add3A, %add3A : vector<1000x128xf32>
    %reduce_sum3A = arith.constant dense<0.000000e+00> : vector<1000xf32>
    %reduce_sum3A_9 = vector.multi_reduction <add>, %mul3A, %reduce_sum3A [1] : vector<1000x128xf32> to vector<1000xf32>
    %broadcast_in_dim3A = vector.shape_cast %reduce_sum3A_9 : vector<1000xf32> to vector<1000x1xf32>
    %max3A = arith.constant 9.99999996E-13 : f32
    %max3A_10 = vector.broadcast %max3A : f32 to vector<1000x1xf32>
    %max3A_11 = arith.maximumf %broadcast_in_dim3A, %max3A_10 : vector<1000x1xf32>
    %rsqrt3A = math.rsqrt %max3A_11 : vector<1000x1xf32>
    %mul3A_12 = vector.broadcast %rsqrt3A : vector<1000x1xf32> to vector<1000x128xf32>
    %mul3A_13 = arith.mulf %add3A, %mul3A_12 : vector<1000x128xf32>
    %swap3A = arith.constant 0 : index
    %swap3A_14 = arith.constant 0 : index
    %swap3A_15 = vector.load %arg3[%swap3A, %swap3A_14] : memref<1000x128xf32, #tpu.memory_space<vmem>>, vector<1000x128xf32>
    tpu.vector_store %arg3[%swap3A, %swap3A_14], %mul3A_13 {strides = array<i32>} : memref<1000x128xf32, #tpu.memory_space<vmem>>, vector<1000x128xf32>,
    %get3A_16 = arith.constant 0 : index
    %get3A_17 = arith.constant 0 : index
    %get3A_18 = vector.load %arg2[%get3A_16, %get3A_17] : memref<1000x128xf32, #tpu.memory_space<vmem>>, vector<1000x128xf32>
    %add3A_19 = arith.addf %get3A_18, %mul3A_13 : vector<1000x128xf32>
    %swap3A_20 = arith.constant 0 : index
    %swap3A_21 = arith.constant 0 : index
    %swap3A_22 = vector.load %arg4[%swap3A_20, %swap3A_21] : memref<1000x128xf32, #tpu.memory_space<vmem>>, vector<1000x128xf32>
    tpu.vector_store %arg4[%swap3A_20, %swap3A_21], %add3A_19 {strides = array<i32>} : memref<1000x128xf32, #tpu.memory_space<vmem>>, vector<1000x128xf32>,
    return
  }
  func.func @transform_0(%arg0: i32) -> (i32, i32, i32) {
    %c0_i32 = arith.constant 0 : i32
    %c0_i32_0 = arith.constant 0 : i32
    %c0_i32_1 = arith.constant 0 : i32
    return %c0_i32, %arg0, %c0_i32_0 : i32, i32, i32
  }
  func.func @transform_1(%arg0: i32) -> (i32, i32) {
    %c0_i32 = arith.constant 0 : i32
    %c0_i32_0 = arith.constant 0 : i32
    return %arg0, %c0_i32 : i32, i32
  }
  func.func @transform_2(%arg0: i32) -> (i32, i32) {
    %c0_i32 = arith.constant 0 : i32
    %c0_i32_0 = arith.constant 0 : i32
    return %arg0, %c0_i32 : i32, i32
  }
  func.func @transform_3(%arg0: i32) -> (i32, i32) {
    %c0_i32 = arith.constant 0 : i32
    %c0_i32_0 = arith.constant 0 : i32
    return %arg0, %c0_i32 : i32, i32
  }
}

module attributes {stable_mosaic.version = 14 : i64} {
  func.func @body(%arg0: i32, %arg1: memref<2x1000x128xf32, #tpu.memory_space<vmem>>, %arg2: memref<1000x128xf32, #tpu.memory_space<vmem>>, %arg3: memref<1000x128xf32, #tpu.memory_space<vmem>>, %arg4: memref<1000x128xf32, #tpu.memory_space<vmem>>) attributes {dimension_semantics = [#tpu.dimension_semantics<arbitrary>], iteration_bounds = array<i64: 10>, scalar_prefetch = 0 : i64, scratch_operands = 0 : i64, tpu.core_type = #tpu.core_type<tc>, window_params = [{transform_indices = @transform_0, window_bounds = array<i64: 2, 1000, 128>}, {transform_indices = @transform_1, window_bounds = array<i64: 1000, 128>}, {transform_indices = @transform_2, window_bounds = array<i64: 1000, 128>}, {transform_indices = @transform_3, window_bounds = array<i64: 1000, 128>}]} {
    %get3A = arith.constant 0 : index
    %get3A_0 = arith.constant 0 : index
    %get3A_1 = arith.constant 0 : index
    %get3A_2 = vector.load %arg1[%get3A, %get3A_0, %get3A_1] : memref<2x1000x128xf32, #tpu.memory_space<vmem>>, vector<1x1000x128xf32>
    %get3A_3 = vector.shape_cast %get3A_2 : vector<1x1000x128xf32> to vector<1000x128xf32>
    %get3A_4 = arith.constant 1 : index
    %get3A_5 = arith.constant 0 : index
    %get3A_6 = arith.constant 0 : index
    %get3A_7 = vector.load %arg1[%get3A_4, %get3A_5, %get3A_6] : memref<2x1000x128xf32, #tpu.memory_space<vmem>>, vector<1x1000x128xf32>
    %get3A_8 = vector.shape_cast %get3A_7 : vector<1x1000x128xf32> to vector<1000x128xf32>
    %add3A = arith.addf %get3A_3, %get3A_8 : vector<1000x128xf32>
    %mul3A = arith.mulf %add3A, %add3A : vector<1000x128xf32>
    %reduce_sum3A = arith.constant dense<0.000000e+00> : vector<1000xf32>
    %reduce_sum3A_9 = vector.multi_reduction <add>, %mul3A, %reduce_sum3A [1] : vector<1000x128xf32> to vector<1000xf32>
    %broadcast_in_dim3A = vector.shape_cast %reduce_sum3A_9 : vector<1000xf32> to vector<1000x1xf32>
    %max3A = arith.constant 9.99999996E-13 : f32
    %max3A_10 = vector.broadcast %max3A : f32 to vector<1000x1xf32>
    %max3A_11 = arith.maximumf %broadcast_in_dim3A, %max3A_10 : vector<1000x1xf32>
    %rsqrt3A = math.rsqrt %max3A_11 : vector<1000x1xf32>
    %mul3A_12 = vector.broadcast %rsqrt3A : vector<1000x1xf32> to vector<1000x128xf32>
    %mul3A_13 = arith.mulf %add3A, %mul3A_12 : vector<1000x128xf32>
    %swap3A = arith.constant 0 : index
    %swap3A_14 = arith.constant 0 : index
    %swap3A_15 = vector.load %arg3[%swap3A, %swap3A_14] : memref<1000x128xf32, #tpu.memory_space<vmem>>, vector<1000x128xf32>
    tpu.vector_store %arg3[%swap3A, %swap3A_14], %mul3A_13 {strides = array<i32>} : memref<1000x128xf32, #tpu.memory_space<vmem>>, vector<1000x128xf32>,
    %get3A_16 = arith.constant 0 : index
    %get3A_17 = arith.constant 0 : index
    %get3A_18 = vector.load %arg2[%get3A_16, %get3A_17] : memref<1000x128xf32, #tpu.memory_space<vmem>>, vector<1000x128xf32>
    %add3A_19 = arith.addf %get3A_18, %mul3A_13 : vector<1000x128xf32>
    %swap3A_20 = arith.constant 0 : index
    %swap3A_21 = arith.constant 0 : index
    %swap3A_22 = vector.load %arg4[%swap3A_20, %swap3A_21] : memref<1000x128xf32, #tpu.memory_space<vmem>>, vector<1000x128xf32>
    tpu.vector_store %arg4[%swap3A_20, %swap3A_21], %add3A_19 {strides = array<i32>} : memref<1000x128xf32, #tpu.memory_space<vmem>>, vector<1000x128xf32>,
    return
  }
  func.func @transform_0(%arg0: i32) -> (i32, i32, i32) {
    %c0_i32 = arith.constant 0 : i32
    %c0_i32_0 = arith.constant 0 : i32
    %c0_i32_1 = arith.constant 0 : i32
    return %c0_i32, %arg0, %c0_i32_0 : i32, i32, i32
  }
  func.func @transform_1(%arg0: i32) -> (i32, i32) {
    %c0_i32 = arith.constant 0 : i32
    %c0_i32_0 = arith.constant 0 : i32
    return %arg0, %c0_i32 : i32, i32
  }
  func.func @transform_2(%arg0: i32) -> (i32, i32) {
    %c0_i32 = arith.constant 0 : i32
    %c0_i32_0 = arith.constant 0 : i32
    return %arg0, %c0_i32 : i32, i32
  }
  func.func @transform_3(%arg0: i32) -> (i32, i32) {
    %c0_i32 = arith.constant 0 : i32
    %c0_i32_0 = arith.constant 0 : i32
    return %arg0, %c0_i32 : i32, i32
  }
}

</mosaic_0001>

<sc_bundles>
// kernel: kernel.14.cloned.1.call-start
scs
__scs_entry_jumppad:
0x0: {  	(pc) =	sbr.rel $0x88, $3  }
0x1: {  	(tag) =	ssettag $0x0;
	lr =	simm.s32 $0x1  }
0x2: {  	[smem:$0x3F98] =	sst lr;
	_ =	strace $0xD0000000  }
0x3: {  	_ = 	snop  }
0x4: {  	_ = 	snop  }
0x5: {  	_ = 	snop  }
0x6: {  	_ = 	snop  }
0x7: {  	_ = 	snop  }
__scs_overlays_trampoline_lowered:
0x8: {  	[smem:$0x3FA7] =	sst s0  }
0x9: {  	[smem:$0x3FA8] =	sst s1  }
0xa: {  	[smem:$0x3FA9] =	sst s2  }
0xb: {  	[smem:$0x3FAA] =	sst s3  }
0xc: {  	[smem:$0x3FAB] =	sst s4  }
0xd: {  	[smem:$0x3FAC] =	sst s5  }
0xe: {  	[smem:$0x3FAD] =	sst s6  }
0xf: {  	[smem:$0x3FAE] =	sst s7  }
0x10: {  	[smem:$0x3FAF] =	sst s8  }
0x11: {  	[smem:$0x3FB0] =	sst s9;
	s0 =	simm.s32 @!p0 $0x0  }
0x12: {  	s1 =	sld [smem:$0x3F96];
	s0 =	simm.s32 @p0 $0x1  }
0x13: {  	[smem:$0x3FB1] =	sst s0;
	s0 =	simm.s32 @!p1 $0x0  }
0x14: {  	s2 =	sld [smem:$0x3F95];
	s0 =	simm.s32 @p1 $0x1  }
0x15: {  	[smem:$0x3FB2] =	sst s0;
	s0 =	simm.s32 @!p2 $0x0  }
0x16: {  	s3 =	sld [smem:$0x3FDB];
	s0 =	simm.s32 @p2 $0x1  }
0x17: {  	s4 =	simm.s32 $0x1BF5;
	[smem:$0x3FB4] =	sst s0  }
0x18: {  	s0 =	sld [smem:$0x3F97];
	_ =	swait.ge [sflag:s4], $0x0  }
0x19: {  	s7 =	sld [smem:$0x3F98]  }
0x1a: {  	s8 =	sadd.s32 $0xFFFFE003, lr  }
0x1b: {  	s9 =	sadd.s32 $0xFFFFFEF7, lr;
	s5 =	simm.s32 $0xFFFFFFFF;
	p2 =	slt.u32 s8, $0xFFFFF086  }
0x1c: {  	p1 =	slt.u32 s9, $0xF7A;
	s5 =	simm.s32 @!p2 $0x0  }
0x1d: {  	s5 =	simm.s32 @p1 $0x1;
	p0 =	seq.s32 s7, s2  }
0x1e: {  	s7 =	smul.u32 @!p0 $0xF7A, s2;
	p2 =	seq.s32 @!p0 s5, $0x0  }
0x1f: {  	s9 =	smul.u32 $0xF7A, s1;
	s8 =	simm.s32 @!p0 $0x1BF5;
	p2 =	por !p2, p0  }
0x20: {  	[sflag:s8] =	ssyncset.s32 @!p0 $0xFFFFF086;
	s6 =	sadd.s32 @!p0 s3, s7;
	s7 =	simm.s32 @!p0 $0x108  }
0x21: {  	s3 =	sadd.s32 s3, s9;
	s6 =	sadd.s32 @!p0 $0x88, s6;
	s7 =	simm.s32 @p2 $0x1082  }
0x22: {  	[simem:s7], [sflag:s8] =	dma.local @!p0 [hbm:s6], $0xF7A  }
0x23: {  	s9 =	sor.u32 $0xD0000000, s2;
	s6 =	simm.s32 $0x108;
	_ =	swait.ge @!p0 [sflag:s8], $0x0  }
0x24: {  	s3 =	sadd.s32 $0x88, s3;
	s6 =	simm.s32 @!p1 $0x1082;
	[sflag:s4] =	ssyncset.s32 $0xFFFFF086  }
0x25: {  	[simem:s6], [sflag:s4] =	dma.local [hbm:s3], $0xF7A  }
0x26: {  	[smem:$0x3F98] =	sst s1;
	(tag) =	ssettag s2;
	_ =	strace s9  }
0x27: {  	s1 =	sld [smem:$0x3FA8]  }
0x28: {  	s2 =	sld [smem:$0x3FA9]  }
0x29: {  	s4 =	sld [smem:$0x3FAB]  }
0x2a: {  	p0 =	seq.s32 s5, $0x0;
	s5 =	sld [smem:$0x3FAC]  }
0x2b: {  	s6 =	sld [smem:$0x3FAD]  }
0x2c: {  	s7 =	sld [smem:$0x3FAE]  }
0x2d: {  	s3 =	simm.s32 $0x108;
	s8 =	sld [smem:$0x3FAF]  }
0x2e: {  	s3 =	simm.s32 @!p0 $0x1082;
	s9 =	sld [smem:$0x3FB0]  }
0x2f: {  	lr =	sadd.s32 s0, s3;
	s0 =	sld [smem:$0x3FA7]  }
0x30: {  	s3 =	sld [smem:$0x3FAA]  }
0x31: {  	[smem:$0x3FB3] =	sst s10  }
0x32: {  	s10 =	sld [smem:$0x3FB1];
	_ =	sdelay $0x3  }
0x33: {  	p0 =	seq.s32 s10, $0x1;
	s10 =	sld [smem:$0x3FB3];
	_ =	sdelay $0x3  }
0x34: {  	[smem:$0x3FB3] =	sst s10  }
0x35: {  	s10 =	sld [smem:$0x3FB2];
	_ =	sdelay $0x3  }
0x36: {  	p1 =	seq.s32 s10, $0x1;
	s10 =	sld [smem:$0x3FB3];
	_ =	sdelay $0x3  }
0x37: {  	[smem:$0x3FB3] =	sst s10  }
0x38: {  	s10 =	sld [smem:$0x3FB4]  }
0x39: {  	_ = 	snop;
	(pc) =	sbr.ind lr, $3  }
0x3a: {  	_ = 	snop  }
0x3b: {  	_ = 	snop  }
0x3c: {  	p2 =	seq.s32 s10, $0x1;
	s10 =	sld [smem:$0x3FB3]  }
0x3d: {  	_ =	shalt  }
0x3e: {  	_ =	shalt  }
0x3f: {  	_ =	shalt  }
0x40: {  	_ =	shalt  }
0x41: {  	_ =	shalt  }
0x42: {  	_ =	shalt  }
0x43: {  	_ =	shalt  }
0x44: {  	_ =	shalt  }
0x45: {  	_ =	shalt  }
0x46: {  	_ =	shalt  }
0x47: {  	_ =	shalt  }
0x48: {  	_ =	shalt  }
0x49: {  	_ =	shalt  }
0x4a: {  	_ =	shalt  }
0x4b: {  	_ =	shalt  }
0x4c: {  	_ =	shalt  }
0x4d: {  	_ =	shalt  }
0x4e: {  	_ =	shalt  }
0x4f: {  	_ =	shalt  }
0x50: {  	_ =	shalt  }
0x51: {  	_ =	shalt  }
0x52: {  	_ =	shalt  }
0x53: {  	_ =	shalt  }
0x54: {  	_ =	shalt  }
0x55: {  	_ =	shalt  }
0x56: {  	_ =	shalt  }
0x57: {  	_ =	shalt  }
0x58: {  	_ =	shalt  }
0x59: {  	_ =	shalt  }
0x5a: {  	_ =	shalt  }
0x5b: {  	_ =	shalt  }
0x5c: {  	_ =	shalt  }
0x5d: {  	_ =	shalt  }
0x5e: {  	_ =	shalt  }
0x5f: {  	_ =	shalt  }
0x60: {  	_ =	shalt  }
0x61: {  	_ =	shalt  }
0x62: {  	_ =	shalt  }
0x63: {  	_ =	shalt  }
0x64: {  	_ =	shalt  }
0x65: {  	_ =	shalt  }
0x66: {  	_ =	shalt  }
0x67: {  	_ =	shalt  }
0x68: {  	_ =	shalt  }
0x69: {  	_ =	shalt  }
0x6a: {  	_ =	shalt  }
0x6b: {  	_ =	shalt  }
0x6c: {  	_ =	shalt  }
0x6d: {  	_ =	shalt  }
0x6e: {  	_ =	shalt  }
0x6f: {  	_ =	shalt  }
0x70: {  	_ =	shalt  }
0x71: {  	_ =	shalt  }
0x72: {  	_ =	shalt  }
0x73: {  	_ =	shalt  }
0x74: {  	_ =	shalt  }
0x75: {  	_ =	shalt  }
0x76: {  	_ =	shalt  }
0x77: {  	_ =	shalt  }
0x78: {  	_ =	shalt  }
0x79: {  	_ =	shalt  }
0x7a: {  	_ =	shalt  }
0x7b: {  	_ =	shalt  }
0x7c: {  	_ =	shalt  }
0x7d: {  	_ =	shalt  }
0x7e: {  	_ =	shalt  }
0x7f: {  	_ =	shalt  }
0x80: {  	_ =	shalt  }
0x81: {  	_ =	shalt  }
0x82: {  	_ =	shalt  }
0x83: {  	_ =	shalt  }
0x84: {  	_ =	shalt  }
0x85: {  	_ =	shalt  }
0x86: {  	_ =	shalt  }
0x87: {  	_ =	shalt  }
.Lfunc_end0:
.L_simem_size_0:
called_computation_lowered:
.L_overlay_start_0:
0x88: {  	s2 =	sld [smem:$0x3FD9]  }
0x89: {  	s3 =	sld [smem:$0x3FFE];
	_ =	sdelay $0x1  }
0x8a: {  	s1 =	srdreg.scid  }
0x8b: {  	s0 =	sand.u32 $0x1, s1  }
0x8c: {  	s17 =	sshll.u32 s0, $0xA;
	s2 =	sadd.s32 s3, s2  }
0x8d: {  	s2 =	sadd.s32 s2, s17  }
0x8e: {  	[smem:$0x3FBF] =	sst s2  }
0x8f: {  	_ = 	snop  }
0x90: {  	s2 =	sld [smem:$0x3FC9];
	(tm) =	ssettm $0x1  }
0x91: {  	s18 =	sld [smem:$0x3FFB];
	_ =	sdelay $0x3  }
0x92: {  	_ =	strace s18  }
0x93: {  	s3 =	sld [smem:$0x3FFC];
	_ =	sdelay $0x3  }
0x94: {  	_ =	strace s3  }
0x95: {  	s3 =	sld [smem:$0x3FFD];
	_ =	sdelay $0x3  }
0x96: {  	_ =	strace s3  }
0x97: {  	_ =	strace $0x8FFFFFFF  }
0x98: {  	s19 =	sld [smem:$0x3FDB];
	_ =	sdelay $0x1  }
0x99: {  	s4 =	simm.s32 $_scs_section_size  }
0x9a: {  	s5 =	simm.s32 $_size__tile_overlayer_lowered;
	s6 =	simm.s32 $_tile_overlayer_lowered  }
0x9b: {  	s22 =	simm.s32 $0x1BFF;
	s21 =	sshll.u32 s6, $0x1;
	s3 =	sadd.s32 s4, s19  }
0x9c: {  	s7 =	simm.s32 $0x0;
	s20 =	sshll.u32 s5, $0x1;
	s5 =	sadd.s32 s21, s3  }
0x9d: {  	[timem:s7], [sflag:s22] =	dma.local [hbm:s5], s20  }
0x9e: {  	_ =	swait.ge [sflag:s22], s20  }
0x9f: {  	s4 =	ssub.s32 $0x0, s20;
	[sflag:s22] =	ssyncset.done $0x0  }
0xa0: {  	[sflag:s22] =	ssyncadd.s32 s4;
	_ =	sdelay $0x1  }
0xa1: {  	s23 =	simm.s32 $0x1B8B  }
0xa2: {  	_ =	swait.ge [sflag:s23], $0x1  }
0xa3: {  	[sflag:s23] =	ssyncset.done $0x0  }
0xa4: {  	s25 =	simm.s32 $0x1B8E;
	s24 =	sld [smem:$0x3FFE];
	[sflag:s23] =	ssyncadd.s32 $0xFFFFFFFF  }
0xa5: {  	s26 =	simm.s32 $execute0_lowered;
	[smem:$0x3FD2] =	sst s25  }
0xa6: {  	s5 =	sshll.u32 s26, $0x1;
	_ =	strace $0x80000046;
	[dreg:$0x1] =	wrdreg $0xFFFFFFFF  }
0xa7: {  	s28 =	simm.s32 $_size_execute0_lowered;
	s3 =	sadd.s32 s3, s5;
	[dreg:$0x0] =	wrdreg $0x0  }
0xa8: {  	s5 =	sshll.u32 s28, $0x1;
	[dreg:$0x2] =	wrdreg s3  }
0xa9: {  	[dreg:$0x3] =	wrdreg s5  }
0xaa: {  	[dreg:$0x4] =	wrdreg $0xC0  }
0xab: {  	_ =	task [dreg:s7], $0x5FFFF  }
0xac: {  	[dreg:$0x1] =	wrdreg $0xFFFFFFFF  }
0xad: {  	[dreg:$0x0] =	wrdreg $0x60  }
0xae: {  	[dreg:$0x2] =	wrdreg s2  }
0xaf: {  	[dreg:$0x3] =	wrdreg s24  }
0xb0: {  	[dreg:$0x4] =	wrdreg $0x9  }
0xb1: {  	_ =	task.clear_ibuf [dreg:s7], $0x5FFFF;
	_ =	strace $0x90000046  }
0xb2: {  	s29 =	simm.s32 $0x9;
	_ =	strace $0x80000048  }
0xb3: {  	_ =	swait.ge [sflag:s29], $0x1  }
0xb4: {  	[sflag:s29] =	ssyncadd.s32 $0xFFFFFFFF  }
0xb5: {  	_ =	strace $0x90000048  }
0xb6: {  	_ =	sfence  }
0xb7: {  	s30 =	sld [smem:$0x0];
	_ =	sdelay $0x2  }
0xb8: {  	s31 =	sshll.u32 s1, $0xD;
	s1 =	sshrl.u32 s1, $0x2  }
0xb9: {  	s3 =	sand.u32 $0x4000, s31;
	s1 =	sadd.s32 s1, s30  }
0xba: {  	s0 =	sor.u32 s3, s0;
	s1 =	sshll.u32 s1, $0x11  }
0xbb: {  	s0 =	sor.u32 s1, s0  }
0xbc: {  	s0 =	sadd.s32 $0x8F2B, s0  }
0xbd: {  	[sflag:s0] =	ssyncadd.remote.s32 $0x1  }
0xbe: {  	_ =	sfence.sel $0xFFFF  }
0xbf: {  	[dreg:$0x0] =	wrdreg $0xFFFFFFFF;
	(pc) =	sbr.abs _section_cstart, $3  }
0xc0: {  	[dreg:$0x1] =	wrdreg $0xFFFFFFFF  }
0xc1: {  	_ =	task.clear_ibuf [dreg:s7], $0x2FFFF;
	_ =	strace $0x9FFFFFFF  }
0xc2: {  	(tm) =	ssettm $0x7FFFFFFF  }
0xc3: {  	_ =	shalt  }
tec
execute0_lowered:
.L_overlay_start_1:
0x0: {  	(tag) =	ssettag $0x1  }
0x1: {  	s2 =	rddreg [dreg:$0x0]  }
0x2: {  	s4 =	rddreg [dreg:$0x1]  }
0x3: {  	s0 =	rddreg [dreg:$0x2];
	s1 =	stileid.u32  }
0x4: {  	s5 =	srdreg.scid;
	s3 =	simm.s32 $0x0;
	s6 =	smul.u32 $0x2800, s1  }
0x5: {  	s10 =	simm.s32 $0x0;
	s5 =	sand.u32 $0x1, s5;
	s8 =	smul.u32 $0x28000, s1  }
0x6: {  	[smem:$0x7FF] =	sst s3;
	s7 =	smul.u32 $0x1400, s5;
	s9 =	ssub.s32 $0x2, s5  }
0x7: {  	_ =	strace $0x80000047;
	s5 =	smul.u32 $0x14000, s5;
	s31 =	sshrl.u32 s9, $0x1  }
0x8: {  	s8 =	sadd.s32 s8, s4;
	s6 =	sadd.s32 s7, s6;
	s7 =	ssub.s32 s9, s31  }
0x9: {  	s5 =	sadd.s32 s5, s8;
	s8 =	simm.s32 $0x80;
	s6 =	sshrl.u32 s6, $0x3  }
0xa: {  	s9 =	simm.s32 $0x1;
	s5 =	sadd.s32 $0xAE00, s5;
	s6 =	sadd.s32 s6, s4  }
0xb: {  	s4 =	smax.u32 s7, $0x1;
	s7 =	simm.s32 $0x2;
	s6 =	sadd.s32 $0x5E00, s6  }
.LBB2_1:
0xc: {  	s11 =	sadd.s32 $0x0, s6  }
0xd: {  	[tilespmem:s3], [sflag:$0x2] =	stream.linear.gather [hbm4b:s11+s3], $0x80, $0x38;
	[tilespmem:$0x4080] =	vst v63  }
0xe: {  	_ =	swait.ge [sflag:s7], $0x80  }
0xf: {  	[sflag:s7] =	ssyncset.done $0x0  }
0x10: {  	[sflag:s7] =	ssyncadd.s32 $0xFFFFFF80  }
0x11: {  	[tilespmem:s8], [sflag:$0x1] =	stream.indirect.gather [hbm4b:s2+s8], $0x80, s3, s8, $0xb8;
	[tilespmem:$0x4080] =	vst v63  }
0x12: {  	_ =	swait.ge [sflag:s9], $0x4000  }
0x13: {  	[sflag:s9] =	ssyncset.done $0x0  }
0x14: {  	[sflag:s9] =	ssyncadd.s32 $0xFFFFC000  }
0x15: {  	[hbm4b:s5+s3] =	stream.linear.scatter [tilespmem:s8], [sflag:$0x2], $0x4000, $0x38;
	[tilespmem:$0x4080] =	vst v63  }
0x16: {  	s12 =	simm.s32 $0x10;
	_ =	swait.ge [sflag:s7], $0x4000  }
0x17: {  	s13 =	simm.s32 $0x20;
	s11 =	sadd.s32 $0x800, s5;
	[sflag:s7] =	ssyncset.done $0x0  }
.LBB2_2:
0x18: {  	s14 =	sadd.s32 s12, s6  }
0x19: {  	[sflag:s7] =	ssyncadd.s32 $0xFFFFC000;
	s12 =	smov.u32 s13;
	s15 =	sadd.s32 $0x10, s13  }
0x1a: {  	[tilespmem:s3], [sflag:$0x2] =	stream.linear.gather [hbm4b:s14+s3], $0x80, $0x38;
	[tilespmem:$0x4080] =	vst v63  }
0x1b: {  	p0 =	sne.s32 s13, $0x270;
	_ =	swait.ge [sflag:s7], $0x80  }
0x1c: {  	[sflag:s7] =	ssyncset.done $0x0  }
0x1d: {  	[sflag:s7] =	ssyncadd.s32 $0xFFFFFF80  }
0x1e: {  	[tilespmem:s8], [sflag:$0x1] =	stream.indirect.gather [hbm4b:s2+s8], $0x80, s3, s8, $0xb8;
	[tilespmem:$0x4080] =	vst v63  }
0x1f: {  	_ =	swait.ge [sflag:s9], $0x4000  }
.Ltmp0:
0x20: {  	[sflag:s9] =	ssyncset.done $0x0;
	(pc) =	sbr.rel @p0 .LBB2_2-.Ltmp0, $4  }
0x21: {  	[sflag:s9] =	ssyncadd.s32 $0xFFFFC000  }
0x22: {  	[hbm4b:s11+s3] =	stream.linear.scatter [tilespmem:s8], [sflag:$0x2], $0x4000, $0x38;
	[tilespmem:$0x4080] =	vst v63  }
0x23: {  	_ =	swait.ge [sflag:s7], $0x4000  }
0x24: {  	s13 =	smov.u32 s15;
	s11 =	sadd.s32 $0x800, s11;
	[sflag:s7] =	ssyncset.done $0x0  }
0x25: {  	s12 =	sadd.s32 s12, s6;
	[sflag:s7] =	ssyncadd.s32 $0xFFFFC000  }
0x26: {  	[tilespmem:s3], [sflag:$0x2] =	stream.linear.gather [hbm4b:s12+s3], $0x80, $0x38;
	[tilespmem:$0x4080] =	vst v63  }
0x27: {  	_ =	swait.ge [sflag:s7], $0x80  }
0x28: {  	[sflag:s7] =	ssyncset.done $0x0  }
0x29: {  	[sflag:s7] =	ssyncadd.s32 $0xFFFFFF80  }
0x2a: {  	[tilespmem:s8], [sflag:$0x1] =	stream.indirect.gather [hbm4b:s2+s8], $0x80, s3, s8, $0xb8;
	[tilespmem:$0x4080] =	vst v63  }
0x2b: {  	s10 =	sadd.s32 $0x1, s10;
	_ =	swait.ge [sflag:s9], $0x4000  }
0x2c: {  	p0 =	sne.s32 s10, s4;
	[sflag:s9] =	ssyncset.done $0x0  }
.Ltmp1:
0x2d: {  	[sflag:s9] =	ssyncadd.s32 $0xFFFFC000;
	(pc) =	sbr.rel @p0 .LBB2_1-.Ltmp1, $4  }
0x2e: {  	[hbm4b:s11+s3] =	stream.linear.scatter [tilespmem:s8], [sflag:$0x2], $0x4000, $0x38;
	[tilespmem:$0x4080] =	vst v63  }
0x2f: {  	_ =	swait.ge [sflag:s7], $0x4000  }
0x30: {  	[sflag:s7] =	ssyncset.done $0x0  }
0x31: {  	[sflag:s7] =	ssyncadd.s32 $0xFFFFC000  }
0x32: {  	_ =	sfence.sel $0x180000  }
0x33: {  	[bflag:$0x0] =	sbarrier.arrive $0xFFFF  }
0x34: {  	p0 =	sne.s32 s1, $0x0;
	_ =	strace $0x90000047  }
0x35: {  	s0 =	sadd.s32 @!p0 $0x100000, s0;
	[bflag:$0x2] =	sbarrier.arrive $0xFFFF  }
0x36: {  	[sflag:s0] =	ssyncadd.tile.s32 @!p0 $0x1;
	_ =	shalt  }
.Lfunc_end2:
_tile_overlayer_lowered:
.L_overlay_start_2:
0x37: {  	(tag) =	ssettag $0x2  }
0x38: {  	s0 =	rddreg [dreg:$0x0];
	s2 =	stileid.u32  }
0x39: {  	s1 =	rddreg [dreg:$0x1];
	p0 =	sne.s32 s2, $0x0  }
0x3a: {  	s3 =	rddreg [dreg:$0x2];
	[bflag:$0x3] =	sbarrier.arrive $0xFFFF;
	s2 =	simm.s32 @!p0 $0x1C02  }
0x3b: {  	[timem:s3], [sflag:s2] =	dma.local @!p0 [hbm:s0], s1  }
0x3c: {  	s0 =	simm.s32 @!p0 $0x2  }
0x3d: {  	_ =	swait.ge @!p0 [sflag:s0], s1  }
0x3e: {  	s1 =	ssub.s32 @!p0 $0x0, s1;
	[sflag:s0] =	ssyncset.done @!p0 $0x0  }
0x3f: {  	[sflag:s0] =	ssyncadd.s32 @!p0 s1  }
0x40: {  	[bflag:$0x3] =	sbarrier.arrive $0xFFFF  }
0x41: {  	_ =	shalt  }

// kernel: kernel.17.cloned.1.call-start
scs
__scs_entry_jumppad:
0x0: {  	(pc) =	sbr.rel $0x88, $3  }
0x1: {  	(tag) =	ssettag $0x0;
	lr =	simm.s32 $0x1  }
0x2: {  	[smem:$0x3F98] =	sst lr;
	_ =	strace $0xD0000000  }
0x3: {  	_ = 	snop  }
0x4: {  	_ = 	snop  }
0x5: {  	_ = 	snop  }
0x6: {  	_ = 	snop  }
0x7: {  	_ = 	snop  }
__scs_overlays_trampoline_lowered:
0x8: {  	[smem:$0x3FA7] =	sst s0  }
0x9: {  	[smem:$0x3FA8] =	sst s1  }
0xa: {  	[smem:$0x3FA9] =	sst s2  }
0xb: {  	[smem:$0x3FAA] =	sst s3  }
0xc: {  	[smem:$0x3FAB] =	sst s4  }
0xd: {  	[smem:$0x3FAC] =	sst s5  }
0xe: {  	[smem:$0x3FAD] =	sst s6  }
0xf: {  	[smem:$0x3FAE] =	sst s7  }
0x10: {  	[smem:$0x3FAF] =	sst s8  }
0x11: {  	[smem:$0x3FB0] =	sst s9;
	s0 =	simm.s32 @!p0 $0x0  }
0x12: {  	s1 =	sld [smem:$0x3F96];
	s0 =	simm.s32 @p0 $0x1  }
0x13: {  	[smem:$0x3FB1] =	sst s0;
	s0 =	simm.s32 @!p1 $0x0  }
0x14: {  	s2 =	sld [smem:$0x3F95];
	s0 =	simm.s32 @p1 $0x1  }
0x15: {  	[smem:$0x3FB2] =	sst s0;
	s0 =	simm.s32 @!p2 $0x0  }
0x16: {  	s3 =	sld [smem:$0x3FDB];
	s0 =	simm.s32 @p2 $0x1  }
0x17: {  	s4 =	simm.s32 $0x1BF5;
	[smem:$0x3FB4] =	sst s0  }
0x18: {  	s0 =	sld [smem:$0x3F97];
	_ =	swait.ge [sflag:s4], $0x0  }
0x19: {  	s7 =	sld [smem:$0x3F98]  }
0x1a: {  	s8 =	sadd.s32 $0xFFFFE003, lr  }
0x1b: {  	s9 =	sadd.s32 $0xFFFFFEF7, lr;
	s5 =	simm.s32 $0xFFFFFFFF;
	p2 =	slt.u32 s8, $0xFFFFF086  }
0x1c: {  	p1 =	slt.u32 s9, $0xF7A;
	s5 =	simm.s32 @!p2 $0x0  }
0x1d: {  	s5 =	simm.s32 @p1 $0x1;
	p0 =	seq.s32 s7, s2  }
0x1e: {  	s7 =	smul.u32 @!p0 $0xF7A, s2;
	p2 =	seq.s32 @!p0 s5, $0x0  }
0x1f: {  	s9 =	smul.u32 $0xF7A, s1;
	s8 =	simm.s32 @!p0 $0x1BF5;
	p2 =	por !p2, p0  }
0x20: {  	[sflag:s8] =	ssyncset.s32 @!p0 $0xFFFFF086;
	s6 =	sadd.s32 @!p0 s3, s7;
	s7 =	simm.s32 @!p0 $0x108  }
0x21: {  	s3 =	sadd.s32 s3, s9;
	s6 =	sadd.s32 @!p0 $0x88, s6;
	s7 =	simm.s32 @p2 $0x1082  }
0x22: {  	[simem:s7], [sflag:s8] =	dma.local @!p0 [hbm:s6], $0xF7A  }
0x23: {  	s9 =	sor.u32 $0xD0000000, s2;
	s6 =	simm.s32 $0x108;
	_ =	swait.ge @!p0 [sflag:s8], $0x0  }
0x24: {  	s3 =	sadd.s32 $0x88, s3;
	s6 =	simm.s32 @!p1 $0x1082;
	[sflag:s4] =	ssyncset.s32 $0xFFFFF086  }
0x25: {  	[simem:s6], [sflag:s4] =	dma.local [hbm:s3], $0xF7A  }
0x26: {  	[smem:$0x3F98] =	sst s1;
	(tag) =	ssettag s2;
	_ =	strace s9  }
0x27: {  	s1 =	sld [smem:$0x3FA8]  }
0x28: {  	s2 =	sld [smem:$0x3FA9]  }
0x29: {  	s4 =	sld [smem:$0x3FAB]  }
0x2a: {  	p0 =	seq.s32 s5, $0x0;
	s5 =	sld [smem:$0x3FAC]  }
0x2b: {  	s6 =	sld [smem:$0x3FAD]  }
0x2c: {  	s7 =	sld [smem:$0x3FAE]  }
0x2d: {  	s3 =	simm.s32 $0x108;
	s8 =	sld [smem:$0x3FAF]  }
0x2e: {  	s3 =	simm.s32 @!p0 $0x1082;
	s9 =	sld [smem:$0x3FB0]  }
0x2f: {  	lr =	sadd.s32 s0, s3;
	s0 =	sld [smem:$0x3FA7]  }
0x30: {  	s3 =	sld [smem:$0x3FAA]  }
0x31: {  	[smem:$0x3FB3] =	sst s10  }
0x32: {  	s10 =	sld [smem:$0x3FB1];
	_ =	sdelay $0x3  }
0x33: {  	p0 =	seq.s32 s10, $0x1;
	s10 =	sld [smem:$0x3FB3];
	_ =	sdelay $0x3  }
0x34: {  	[smem:$0x3FB3] =	sst s10  }
0x35: {  	s10 =	sld [smem:$0x3FB2];
	_ =	sdelay $0x3  }
0x36: {  	p1 =	seq.s32 s10, $0x1;
	s10 =	sld [smem:$0x3FB3];
	_ =	sdelay $0x3  }
0x37: {  	[smem:$0x3FB3] =	sst s10  }
0x38: {  	s10 =	sld [smem:$0x3FB4]  }
0x39: {  	_ = 	snop;
	(pc) =	sbr.ind lr, $3  }
0x3a: {  	_ = 	snop  }
0x3b: {  	_ = 	snop  }
0x3c: {  	p2 =	seq.s32 s10, $0x1;
	s10 =	sld [smem:$0x3FB3]  }
0x3d: {  	_ =	shalt  }
0x3e: {  	_ =	shalt  }
0x3f: {  	_ =	shalt  }
0x40: {  	_ =	shalt  }
0x41: {  	_ =	shalt  }
0x42: {  	_ =	shalt  }
0x43: {  	_ =	shalt  }
0x44: {  	_ =	shalt  }
0x45: {  	_ =	shalt  }
0x46: {  	_ =	shalt  }
0x47: {  	_ =	shalt  }
0x48: {  	_ =	shalt  }
0x49: {  	_ =	shalt  }
0x4a: {  	_ =	shalt  }
0x4b: {  	_ =	shalt  }
0x4c: {  	_ =	shalt  }
0x4d: {  	_ =	shalt  }
0x4e: {  	_ =	shalt  }
0x4f: {  	_ =	shalt  }
0x50: {  	_ =	shalt  }
0x51: {  	_ =	shalt  }
0x52: {  	_ =	shalt  }
0x53: {  	_ =	shalt  }
0x54: {  	_ =	shalt  }
0x55: {  	_ =	shalt  }
0x56: {  	_ =	shalt  }
0x57: {  	_ =	shalt  }
0x58: {  	_ =	shalt  }
0x59: {  	_ =	shalt  }
0x5a: {  	_ =	shalt  }
0x5b: {  	_ =	shalt  }
0x5c: {  	_ =	shalt  }
0x5d: {  	_ =	shalt  }
0x5e: {  	_ =	shalt  }
0x5f: {  	_ =	shalt  }
0x60: {  	_ =	shalt  }
0x61: {  	_ =	shalt  }
0x62: {  	_ =	shalt  }
0x63: {  	_ =	shalt  }
0x64: {  	_ =	shalt  }
0x65: {  	_ =	shalt  }
0x66: {  	_ =	shalt  }
0x67: {  	_ =	shalt  }
0x68: {  	_ =	shalt  }
0x69: {  	_ =	shalt  }
0x6a: {  	_ =	shalt  }
0x6b: {  	_ =	shalt  }
0x6c: {  	_ =	shalt  }
0x6d: {  	_ =	shalt  }
0x6e: {  	_ =	shalt  }
0x6f: {  	_ =	shalt  }
0x70: {  	_ =	shalt  }
0x71: {  	_ =	shalt  }
0x72: {  	_ =	shalt  }
0x73: {  	_ =	shalt  }
0x74: {  	_ =	shalt  }
0x75: {  	_ =	shalt  }
0x76: {  	_ =	shalt  }
0x77: {  	_ =	shalt  }
0x78: {  	_ =	shalt  }
0x79: {  	_ =	shalt  }
0x7a: {  	_ =	shalt  }
0x7b: {  	_ =	shalt  }
0x7c: {  	_ =	shalt  }
0x7d: {  	_ =	shalt  }
0x7e: {  	_ =	shalt  }
0x7f: {  	_ =	shalt  }
0x80: {  	_ =	shalt  }
0x81: {  	_ =	shalt  }
0x82: {  	_ =	shalt  }
0x83: {  	_ =	shalt  }
0x84: {  	_ =	shalt  }
0x85: {  	_ =	shalt  }
0x86: {  	_ =	shalt  }
0x87: {  	_ =	shalt  }
.Lfunc_end0:
.L_simem_size_0:
called_computation.1_lowered:
.L_overlay_start_0:
0x88: {  	s2 =	sld [smem:$0x3FD9]  }
0x89: {  	s3 =	sld [smem:$0x3FFE];
	_ =	sdelay $0x1  }
0x8a: {  	s1 =	srdreg.scid  }
0x8b: {  	s0 =	sand.u32 $0x1, s1  }
0x8c: {  	s17 =	sshll.u32 s0, $0xA;
	s2 =	sadd.s32 s3, s2  }
0x8d: {  	s2 =	sadd.s32 s2, s17  }
0x8e: {  	[smem:$0x3FBF] =	sst s2  }
0x8f: {  	_ = 	snop  }
0x90: {  	s2 =	sld [smem:$0x3FD0];
	(tm) =	ssettm $0x1  }
0x91: {  	s18 =	sld [smem:$0x3FFB];
	_ =	sdelay $0x3  }
0x92: {  	_ =	strace s18  }
0x93: {  	s3 =	sld [smem:$0x3FFC];
	_ =	sdelay $0x3  }
0x94: {  	_ =	strace s3  }
0x95: {  	s3 =	sld [smem:$0x3FFD];
	_ =	sdelay $0x3  }
0x96: {  	_ =	strace s3  }
0x97: {  	_ =	strace $0x8FFFFFFF  }
0x98: {  	s19 =	sld [smem:$0x3FDB];
	_ =	sdelay $0x1  }
0x99: {  	s4 =	simm.s32 $_scs_section_size  }
0x9a: {  	s5 =	simm.s32 $_size__tile_overlayer_lowered;
	s6 =	simm.s32 $_tile_overlayer_lowered  }
0x9b: {  	s22 =	simm.s32 $0x1BFF;
	s21 =	sshll.u32 s6, $0x1;
	s3 =	sadd.s32 s4, s19  }
0x9c: {  	s7 =	simm.s32 $0x0;
	s20 =	sshll.u32 s5, $0x1;
	s5 =	sadd.s32 s21, s3  }
0x9d: {  	[timem:s7], [sflag:s22] =	dma.local [hbm:s5], s20  }
0x9e: {  	_ =	swait.ge [sflag:s22], s20  }
0x9f: {  	s4 =	ssub.s32 $0x0, s20;
	[sflag:s22] =	ssyncset.done $0x0  }
0xa0: {  	[sflag:s22] =	ssyncadd.s32 s4;
	_ =	sdelay $0x1  }
0xa1: {  	s23 =	simm.s32 $0x1B8B  }
0xa2: {  	_ =	swait.ge [sflag:s23], $0x1  }
0xa3: {  	[sflag:s23] =	ssyncset.done $0x0  }
0xa4: {  	s25 =	simm.s32 $0x1B8E;
	s24 =	sld [smem:$0x3FFE];
	[sflag:s23] =	ssyncadd.s32 $0xFFFFFFFF  }
0xa5: {  	s26 =	simm.s32 $execute0_lowered;
	[smem:$0x3FD2] =	sst s25  }
0xa6: {  	s5 =	sshll.u32 s26, $0x1;
	_ =	strace $0x80000049;
	[dreg:$0x1] =	wrdreg $0xFFFFFFFF  }
0xa7: {  	s28 =	simm.s32 $_size_execute0_lowered;
	s3 =	sadd.s32 s3, s5;
	[dreg:$0x0] =	wrdreg $0x0  }
0xa8: {  	s5 =	sshll.u32 s28, $0x1;
	[dreg:$0x2] =	wrdreg s3  }
0xa9: {  	[dreg:$0x3] =	wrdreg s5  }
0xaa: {  	[dreg:$0x4] =	wrdreg $0xC0  }
0xab: {  	_ =	task [dreg:s7], $0x5FFFF  }
0xac: {  	[dreg:$0x1] =	wrdreg $0xFFFFFFFF  }
0xad: {  	[dreg:$0x0] =	wrdreg $0x60  }
0xae: {  	[dreg:$0x2] =	wrdreg s24  }
0xaf: {  	[dreg:$0x3] =	wrdreg s2  }
0xb0: {  	[dreg:$0x4] =	wrdreg $0x40800  }
0xb1: {  	[dreg:$0x5] =	wrdreg $0x9  }
0xb2: {  	_ =	task.clear_ibuf [dreg:s7], $0x6FFFF;
	_ =	strace $0x90000049  }
0xb3: {  	s29 =	simm.s32 $0x9;
	_ =	strace $0x8000004B  }
0xb4: {  	_ =	swait.ge [sflag:s29], $0x1  }
0xb5: {  	[sflag:s29] =	ssyncadd.s32 $0xFFFFFFFF  }
0xb6: {  	_ =	strace $0x9000004B  }
0xb7: {  	_ =	sfence  }
0xb8: {  	s30 =	sld [smem:$0x0];
	_ =	sdelay $0x2  }
0xb9: {  	s31 =	sshll.u32 s1, $0xD;
	s1 =	sshrl.u32 s1, $0x2  }
0xba: {  	s3 =	sand.u32 $0x4000, s31;
	s1 =	sadd.s32 s1, s30  }
0xbb: {  	s0 =	sor.u32 s3, s0;
	s1 =	sshll.u32 s1, $0x11  }
0xbc: {  	s0 =	sor.u32 s1, s0  }
0xbd: {  	s0 =	sadd.s32 $0x8F2B, s0  }
0xbe: {  	[sflag:s0] =	ssyncadd.remote.s32 $0x1  }
0xbf: {  	_ =	sfence.sel $0xFFFF  }
0xc0: {  	[dreg:$0x0] =	wrdreg $0xFFFFFFFF;
	(pc) =	sbr.abs _section_cstart, $3  }
0xc1: {  	[dreg:$0x1] =	wrdreg $0xFFFFFFFF  }
0xc2: {  	_ =	task.clear_ibuf [dreg:s7], $0x2FFFF;
	_ =	strace $0x9FFFFFFF  }
0xc3: {  	(tm) =	ssettm $0x7FFFFFFF  }
tec
execute0_lowered:
.L_overlay_start_1:
0x0: {  	(tag) =	ssettag $0x1  }
0x1: {  	s3 =	rddreg [dreg:$0x0];
	s11 =	stileid.u32  }
0x2: {  	s5 =	rddreg [dreg:$0x1];
	s4 =	smul.u32 $0x28000, s11  }
0x3: {  	s0 =	srdreg.scid;
	s7 =	smul.u32 $0x2800, s11  }
0x4: {  	s1 =	rddreg [dreg:$0x2];
	s2 =	simm.s32 $0x0;
	s23 =	smul.u32 $0x2700, s11  }
0x5: {  	s6 =	sand.u32 $0x1, s0;
	s0 =	rddreg [dreg:$0x3];
	s12 =	smul.u32 $0x4E000, s11  }
0x6: {  	[smem:$0x7FF] =	sst s2;
	s13 =	sadd.s32 $0x11000, s3;
	s8 =	smul.u32 $0x1400, s6  }
0x7: {  	s28 =	sshll.u32 s11, $0x6;
	s16 =	sadd.s32 $0x138000, s1;
	s25 =	smul.u32 $0x27100, s6  }
0x8: {  	p0 =	sne.s32 s11, $0x0;
	_ =	strace $0x8000004A;
	s29 =	smul.u32 $0x138800, s6  }
0x9: {  	s22 =	ssub.s32 $0x2, s6;
	s31 =	smul.u32 $0x14000, s6;
	s9 =	sadd.s32 s4, s3  }
0xa: {  	s24 =	sshrl.u32 s22, $0x1;
	s26 =	sshrl.u32 s12, $0x2;
	s12 =	simm.s32 $0x1  }
0xb: {  	s21 =	sadd.s32 s8, s7;
	s14 =	ssub.s32 s22, s24;
	s15 =	sadd.s32 s26, s1  }
0xc: {  	s7 =	sadd.s32 s23, s25;
	s30 =	sshrl.u32 s29, $0x3;
	s9 =	sadd.s32 s31, s9  }
0xd: {  	s4 =	sshrl.u32 s21, $0x3;
	s8 =	sadd.s32 s13, s30;
	s6 =	sadd.s32 s13, s7  }
0xe: {  	s9 =	sadd.s32 $0x510400, s9;
	s11 =	sshrl.u32 s15, $0x3;
	s13 =	sshrl.u32 @!p0 s16, $0x3  }
0xf: {  	s15 =	simm.s32 $0x0;
	s10 =	sadd.s32 s4, s3;
	s3 =	sadd.s32 s5, s23  }
0x10: {  	s4 =	sor.u32 $0x1C01, s28;
	s5 =	sadd.s32 $0x27000, s5;
	s7 =	sadd.s32 $0x27000, s8  }
0x11: {  	s8 =	smax.u32 s14, $0x1;
	s14 =	simm.s32 $0x80;
	s10 =	sadd.s32 $0x28B400, s10  }
.LBB2_1:
0x12: {  	[spmem:s11], [sflag:s4] =	dma.local [hbm:s3], $0x2700  }
0x13: {  	_ =	swait.ge [sflag:s12], $0x2700  }
0x14: {  	[sflag:s12] =	ssyncset.done $0x0  }
0x15: {  	s16 =	simm.s32 @!p0 $0x1;
	[sflag:s12] =	ssyncadd.s32 $0xFFFFD900  }
0x16: {  	[spmem:s13], [sflag:s4] =	dma.local @!p0 [hbm:s5], $0x100  }
0x17: {  	_ =	swait.ge @!p0 [sflag:s16], $0x100  }
0x18: {  	[sflag:s16] =	ssyncset.done @!p0 $0x0  }
0x19: {  	[sflag:s16] =	ssyncadd.s32 @!p0 $0xFFFFFF00  }
0x1a: {  	s31 =	sadd.s32 $0x0, s10;
	[bflag:$0x0] =	sbarrier.arrive $0xFFFF  }
0x1b: {  	[tilespmem:s2], [sflag:$0x1] =	stream.linear.gather [hbm4b:s31+s2], $0x80, $0x38;
	[tilespmem:$0x17900] =	vst v63  }
0x1c: {  	_ =	swait.ge [sflag:s12], $0x80  }
0x1d: {  	[sflag:s12] =	ssyncset.done $0x0  }
0x1e: {  	[sflag:s12] =	ssyncadd.s32 $0xFFFFFF80  }
0x1f: {  	[tilespmem:s14], [sflag:$0x1] =	stream.linear.gather [hbm4b:s9+s2], $0x4000, $0x38;
	[tilespmem:$0x17900] =	vst v63  }
0x20: {  	_ =	swait.ge [sflag:s12], $0x4000  }
0x21: {  	[sflag:s12] =	ssyncset.done $0x0  }
0x22: {  	[sflag:s12] =	ssyncadd.s32 $0xFFFFC000  }
0x23: {  	[spmem:s1] =	stream.indirect.scatter.add.f32 [tilespmem:s14], [sflag:$0x1], $0x80, s2, s14, $0xb8;
	[tilespmem:$0x17900] =	vst v63  }
0x24: {  	s17 =	simm.s32 $0x10;
	_ =	swait.ge [sflag:s12], $0x4000  }
0x25: {  	s18 =	simm.s32 $0x20;
	s16 =	sadd.s32 $0x800, s9;
	[sflag:s12] =	ssyncset.done $0x0  }
.LBB2_2:
0x26: {  	s19 =	sadd.s32 s17, s10  }
0x27: {  	[sflag:s12] =	ssyncadd.s32 $0xFFFFC000;
	s17 =	smov.u32 s18;
	s20 =	sadd.s32 $0x10, s18  }
0x28: {  	[tilespmem:s2], [sflag:$0x1] =	stream.linear.gather [hbm4b:s19+s2], $0x80, $0x38;
	[tilespmem:$0x17900] =	vst v63  }
0x29: {  	p1 =	sne.s32 s18, $0x270;
	_ =	swait.ge [sflag:s12], $0x80  }
0x2a: {  	[sflag:s12] =	ssyncset.done $0x0  }
0x2b: {  	[sflag:s12] =	ssyncadd.s32 $0xFFFFFF80  }
0x2c: {  	[tilespmem:s14], [sflag:$0x1] =	stream.linear.gather [hbm4b:s16+s2], $0x4000, $0x38;
	[tilespmem:$0x17900] =	vst v63  }
0x2d: {  	_ =	swait.ge [sflag:s12], $0x4000  }
.Ltmp0:
0x2e: {  	[sflag:s12] =	ssyncset.done $0x0;
	(pc) =	sbr.rel @p1 .LBB2_2-.Ltmp0, $4  }
0x2f: {  	[sflag:s12] =	ssyncadd.s32 $0xFFFFC000  }
0x30: {  	[spmem:s1] =	stream.indirect.scatter.add.f32 [tilespmem:s14], [sflag:$0x1], $0x80, s2, s14, $0xb8;
	[tilespmem:$0x17900] =	vst v63  }
0x31: {  	_ =	swait.ge [sflag:s12], $0x4000  }
0x32: {  	s18 =	smov.u32 s20;
	s16 =	sadd.s32 $0x800, s16;
	[sflag:s12] =	ssyncset.done $0x0  }
0x33: {  	s17 =	sadd.s32 s17, s10;
	[sflag:s12] =	ssyncadd.s32 $0xFFFFC000  }
0x34: {  	[tilespmem:s2], [sflag:$0x1] =	stream.linear.gather [hbm4b:s17+s2], $0x80, $0x38;
	[tilespmem:$0x17900] =	vst v63  }
0x35: {  	_ =	swait.ge [sflag:s12], $0x80  }
0x36: {  	[sflag:s12] =	ssyncset.done $0x0  }
0x37: {  	[sflag:s12] =	ssyncadd.s32 $0xFFFFFF80  }
0x38: {  	[tilespmem:s14], [sflag:$0x1] =	stream.linear.gather [hbm4b:s16+s2], $0x4000, $0x38;
	[tilespmem:$0x17900] =	vst v63  }
0x39: {  	_ =	swait.ge [sflag:s12], $0x4000  }
0x3a: {  	[sflag:s12] =	ssyncset.done $0x0  }
0x3b: {  	[sflag:s12] =	ssyncadd.s32 $0xFFFFC000  }
0x3c: {  	[spmem:s1] =	stream.indirect.scatter.add.f32 [tilespmem:s14], [sflag:$0x1], $0x80, s2, s14, $0xb8;
	[tilespmem:$0x17900] =	vst v63  }
0x3d: {  	_ =	swait.ge [sflag:s12], $0x4000  }
0x3e: {  	[sflag:s12] =	ssyncset.done $0x0  }
0x3f: {  	[sflag:s12] =	ssyncadd.s32 $0xFFFFC000  }
0x40: {  	[bflag:$0x0] =	sbarrier.arrive $0xFFFF  }
0x41: {  	[hbm:s6], [sflag:s4] =	dma.local [spmem:s11], $0x2700  }
0x42: {  	s15 =	sadd.s32 $0x1, s15;
	_ =	swait.ge [sflag:s12], $0x2700  }
0x43: {  	p1 =	sne.s32 s15, s8;
	[sflag:s12] =	ssyncset.done $0x0  }
.Ltmp1:
0x44: {  	s16 =	simm.s32 @!p0 $0x1;
	[sflag:s12] =	ssyncadd.s32 $0xFFFFD900;
	(pc) =	sbr.rel @p1 .LBB2_1-.Ltmp1, $4  }
0x45: {  	[hbm:s7], [sflag:s4] =	dma.local @!p0 [spmem:s13], $0x100  }
0x46: {  	_ =	swait.ge @!p0 [sflag:s16], $0x100  }
0x47: {  	[sflag:s16] =	ssyncset.done @!p0 $0x0  }
0x48: {  	[sflag:s16] =	ssyncadd.s32 @!p0 $0xFFFFFF00  }
0x49: {  	_ =	sfence.sel $0x180000  }
0x4a: {  	[bflag:$0x0] =	sbarrier.arrive $0xFFFF  }
0x4b: {  	_ =	strace $0x9000004A  }
0x4c: {  	s0 =	sadd.s32 @!p0 $0x100000, s0;
	[bflag:$0x2] =	sbarrier.arrive $0xFFFF  }
0x4d: {  	[sflag:s0] =	ssyncadd.tile.s32 @!p0 $0x1;
	_ =	shalt  }
.Lfunc_end2:
_tile_overlayer_lowered:
.L_overlay_start_2:
0x4e: {  	(tag) =	ssettag $0x2  }
0x4f: {  	s0 =	rddreg [dreg:$0x0];
	s2 =	stileid.u32  }
0x50: {  	s1 =	rddreg [dreg:$0x1];
	p0 =	sne.s32 s2, $0x0  }
0x51: {  	s3 =	rddreg [dreg:$0x2];
	[bflag:$0x3] =	sbarrier.arrive $0xFFFF;
	s2 =	simm.s32 @!p0 $0x1C01  }
0x52: {  	[timem:s3], [sflag:s2] =	dma.local @!p0 [hbm:s0], s1  }
0x53: {  	s0 =	simm.s32 @!p0 $0x1  }
0x54: {  	_ =	swait.ge @!p0 [sflag:s0], s1  }
0x55: {  	s1 =	ssub.s32 @!p0 $0x0, s1;
	[sflag:s0] =	ssyncset.done @!p0 $0x0  }
0x56: {  	[sflag:s0] =	ssyncadd.s32 @!p0 s1  }
0x57: {  	[bflag:$0x3] =	sbarrier.arrive $0xFFFF  }
0x58: {  	_ =	shalt  }

// kernel: kernel.20.cloned.1.call-start
scs
__scs_entry_jumppad:
0x0: {  	(pc) =	sbr.rel $0x88, $3  }
0x1: {  	(tag) =	ssettag $0x0;
	lr =	simm.s32 $0x1  }
0x2: {  	[smem:$0x3F98] =	sst lr;
	_ =	strace $0xD0000000  }
0x3: {  	_ = 	snop  }
0x4: {  	_ = 	snop  }
0x5: {  	_ = 	snop  }
0x6: {  	_ = 	snop  }
0x7: {  	_ = 	snop  }
__scs_overlays_trampoline_lowered:
0x8: {  	[smem:$0x3FA7] =	sst s0  }
0x9: {  	[smem:$0x3FA8] =	sst s1  }
0xa: {  	[smem:$0x3FA9] =	sst s2  }
0xb: {  	[smem:$0x3FAA] =	sst s3  }
0xc: {  	[smem:$0x3FAB] =	sst s4  }
0xd: {  	[smem:$0x3FAC] =	sst s5  }
0xe: {  	[smem:$0x3FAD] =	sst s6  }
0xf: {  	[smem:$0x3FAE] =	sst s7  }
0x10: {  	[smem:$0x3FAF] =	sst s8  }
0x11: {  	[smem:$0x3FB0] =	sst s9;
	s0 =	simm.s32 @!p0 $0x0  }
0x12: {  	s1 =	sld [smem:$0x3F96];
	s0 =	simm.s32 @p0 $0x1  }
0x13: {  	[smem:$0x3FB1] =	sst s0;
	s0 =	simm.s32 @!p1 $0x0  }
0x14: {  	s2 =	sld [smem:$0x3F95];
	s0 =	simm.s32 @p1 $0x1  }
0x15: {  	[smem:$0x3FB2] =	sst s0;
	s0 =	simm.s32 @!p2 $0x0  }
0x16: {  	s3 =	sld [smem:$0x3FDB];
	s0 =	simm.s32 @p2 $0x1  }
0x17: {  	s4 =	simm.s32 $0x1BF5;
	[smem:$0x3FB4] =	sst s0  }
0x18: {  	s0 =	sld [smem:$0x3F97];
	_ =	swait.ge [sflag:s4], $0x0  }
0x19: {  	s7 =	sld [smem:$0x3F98]  }
0x1a: {  	s8 =	sadd.s32 $0xFFFFE003, lr  }
0x1b: {  	s9 =	sadd.s32 $0xFFFFFEF7, lr;
	s5 =	simm.s32 $0xFFFFFFFF;
	p2 =	slt.u32 s8, $0xFFFFF086  }
0x1c: {  	p1 =	slt.u32 s9, $0xF7A;
	s5 =	simm.s32 @!p2 $0x0  }
0x1d: {  	s5 =	simm.s32 @p1 $0x1;
	p0 =	seq.s32 s7, s2  }
0x1e: {  	s7 =	smul.u32 @!p0 $0xF7A, s2;
	p2 =	seq.s32 @!p0 s5, $0x0  }
0x1f: {  	s9 =	smul.u32 $0xF7A, s1;
	s8 =	simm.s32 @!p0 $0x1BF5;
	p2 =	por !p2, p0  }
0x20: {  	[sflag:s8] =	ssyncset.s32 @!p0 $0xFFFFF086;
	s6 =	sadd.s32 @!p0 s3, s7;
	s7 =	simm.s32 @!p0 $0x108  }
0x21: {  	s3 =	sadd.s32 s3, s9;
	s6 =	sadd.s32 @!p0 $0x88, s6;
	s7 =	simm.s32 @p2 $0x1082  }
0x22: {  	[simem:s7], [sflag:s8] =	dma.local @!p0 [hbm:s6], $0xF7A  }
0x23: {  	s9 =	sor.u32 $0xD0000000, s2;
	s6 =	simm.s32 $0x108;
	_ =	swait.ge @!p0 [sflag:s8], $0x0  }
0x24: {  	s3 =	sadd.s32 $0x88, s3;
	s6 =	simm.s32 @!p1 $0x1082;
	[sflag:s4] =	ssyncset.s32 $0xFFFFF086  }
0x25: {  	[simem:s6], [sflag:s4] =	dma.local [hbm:s3], $0xF7A  }
0x26: {  	[smem:$0x3F98] =	sst s1;
	(tag) =	ssettag s2;
	_ =	strace s9  }
0x27: {  	s1 =	sld [smem:$0x3FA8]  }
0x28: {  	s2 =	sld [smem:$0x3FA9]  }
0x29: {  	s4 =	sld [smem:$0x3FAB]  }
0x2a: {  	p0 =	seq.s32 s5, $0x0;
	s5 =	sld [smem:$0x3FAC]  }
0x2b: {  	s6 =	sld [smem:$0x3FAD]  }
0x2c: {  	s7 =	sld [smem:$0x3FAE]  }
0x2d: {  	s3 =	simm.s32 $0x108;
	s8 =	sld [smem:$0x3FAF]  }
0x2e: {  	s3 =	simm.s32 @!p0 $0x1082;
	s9 =	sld [smem:$0x3FB0]  }
0x2f: {  	lr =	sadd.s32 s0, s3;
	s0 =	sld [smem:$0x3FA7]  }
0x30: {  	s3 =	sld [smem:$0x3FAA]  }
0x31: {  	[smem:$0x3FB3] =	sst s10  }
0x32: {  	s10 =	sld [smem:$0x3FB1];
	_ =	sdelay $0x3  }
0x33: {  	p0 =	seq.s32 s10, $0x1;
	s10 =	sld [smem:$0x3FB3];
	_ =	sdelay $0x3  }
0x34: {  	[smem:$0x3FB3] =	sst s10  }
0x35: {  	s10 =	sld [smem:$0x3FB2];
	_ =	sdelay $0x3  }
0x36: {  	p1 =	seq.s32 s10, $0x1;
	s10 =	sld [smem:$0x3FB3];
	_ =	sdelay $0x3  }
0x37: {  	[smem:$0x3FB3] =	sst s10  }
0x38: {  	s10 =	sld [smem:$0x3FB4]  }
0x39: {  	_ = 	snop;
	(pc) =	sbr.ind lr, $3  }
0x3a: {  	_ = 	snop  }
0x3b: {  	_ = 	snop  }
0x3c: {  	p2 =	seq.s32 s10, $0x1;
	s10 =	sld [smem:$0x3FB3]  }
0x3d: {  	_ =	shalt  }
0x3e: {  	_ =	shalt  }
0x3f: {  	_ =	shalt  }
0x40: {  	_ =	shalt  }
0x41: {  	_ =	shalt  }
0x42: {  	_ =	shalt  }
0x43: {  	_ =	shalt  }
0x44: {  	_ =	shalt  }
0x45: {  	_ =	shalt  }
0x46: {  	_ =	shalt  }
0x47: {  	_ =	shalt  }
0x48: {  	_ =	shalt  }
0x49: {  	_ =	shalt  }
0x4a: {  	_ =	shalt  }
0x4b: {  	_ =	shalt  }
0x4c: {  	_ =	shalt  }
0x4d: {  	_ =	shalt  }
0x4e: {  	_ =	shalt  }
0x4f: {  	_ =	shalt  }
0x50: {  	_ =	shalt  }
0x51: {  	_ =	shalt  }
0x52: {  	_ =	shalt  }
0x53: {  	_ =	shalt  }
0x54: {  	_ =	shalt  }
0x55: {  	_ =	shalt  }
0x56: {  	_ =	shalt  }
0x57: {  	_ =	shalt  }
0x58: {  	_ =	shalt  }
0x59: {  	_ =	shalt  }
0x5a: {  	_ =	shalt  }
0x5b: {  	_ =	shalt  }
0x5c: {  	_ =	shalt  }
0x5d: {  	_ =	shalt  }
0x5e: {  	_ =	shalt  }
0x5f: {  	_ =	shalt  }
0x60: {  	_ =	shalt  }
0x61: {  	_ =	shalt  }
0x62: {  	_ =	shalt  }
0x63: {  	_ =	shalt  }
0x64: {  	_ =	shalt  }
0x65: {  	_ =	shalt  }
0x66: {  	_ =	shalt  }
0x67: {  	_ =	shalt  }
0x68: {  	_ =	shalt  }
0x69: {  	_ =	shalt  }
0x6a: {  	_ =	shalt  }
0x6b: {  	_ =	shalt  }
0x6c: {  	_ =	shalt  }
0x6d: {  	_ =	shalt  }
0x6e: {  	_ =	shalt  }
0x6f: {  	_ =	shalt  }
0x70: {  	_ =	shalt  }
0x71: {  	_ =	shalt  }
0x72: {  	_ =	shalt  }
0x73: {  	_ =	shalt  }
0x74: {  	_ =	shalt  }
0x75: {  	_ =	shalt  }
0x76: {  	_ =	shalt  }
0x77: {  	_ =	shalt  }
0x78: {  	_ =	shalt  }
0x79: {  	_ =	shalt  }
0x7a: {  	_ =	shalt  }
0x7b: {  	_ =	shalt  }
0x7c: {  	_ =	shalt  }
0x7d: {  	_ =	shalt  }
0x7e: {  	_ =	shalt  }
0x7f: {  	_ =	shalt  }
0x80: {  	_ =	shalt  }
0x81: {  	_ =	shalt  }
0x82: {  	_ =	shalt  }
0x83: {  	_ =	shalt  }
0x84: {  	_ =	shalt  }
0x85: {  	_ =	shalt  }
0x86: {  	_ =	shalt  }
0x87: {  	_ =	shalt  }
.Lfunc_end0:
.L_simem_size_0:
called_computation.2_lowered:
.L_overlay_start_0:
0x88: {  	s2 =	sld [smem:$0x3FD9]  }
0x89: {  	s3 =	sld [smem:$0x3FFE];
	_ =	sdelay $0x1  }
0x8a: {  	s1 =	srdreg.scid  }
0x8b: {  	s0 =	sand.u32 $0x1, s1  }
0x8c: {  	s16 =	sshll.u32 s0, $0xA;
	s2 =	sadd.s32 s3, s2  }
0x8d: {  	s2 =	sadd.s32 s2, s16  }
0x8e: {  	[smem:$0x3FBF] =	sst s2  }
0x8f: {  	_ = 	snop  }
0x90: {  	(tm) =	ssettm $0x1  }
0x91: {  	s17 =	sld [smem:$0x3FFB];
	_ =	sdelay $0x3  }
0x92: {  	_ =	strace s17  }
0x93: {  	s2 =	sld [smem:$0x3FFC];
	_ =	sdelay $0x3  }
0x94: {  	_ =	strace s2  }
0x95: {  	s2 =	sld [smem:$0x3FFD];
	_ =	sdelay $0x3  }
0x96: {  	_ =	strace s2  }
0x97: {  	_ =	strace $0x8FFFFFFF  }
0x98: {  	s18 =	sld [smem:$0x3FDB];
	_ =	sdelay $0x1  }
0x99: {  	s19 =	simm.s32 $_scs_section_size  }
0x9a: {  	s4 =	simm.s32 $_size__tile_overlayer_lowered;
	s5 =	simm.s32 $_tile_overlayer_lowered  }
0x9b: {  	s22 =	simm.s32 $0x1BFF;
	s21 =	sshll.u32 s5, $0x1;
	s2 =	sadd.s32 s19, s18  }
0x9c: {  	s6 =	simm.s32 $0x0;
	s20 =	sshll.u32 s4, $0x1;
	s4 =	sadd.s32 s21, s2  }
0x9d: {  	[timem:s6], [sflag:s22] =	dma.local [hbm:s4], s20  }
0x9e: {  	_ =	swait.ge [sflag:s22], s20  }
0x9f: {  	s3 =	ssub.s32 $0x0, s20;
	[sflag:s22] =	ssyncset.done $0x0  }
0xa0: {  	[sflag:s22] =	ssyncadd.s32 s3;
	_ =	sdelay $0x1  }
0xa1: {  	s23 =	simm.s32 $0x1B8B  }
0xa2: {  	_ =	swait.ge [sflag:s23], $0x1  }
0xa3: {  	[sflag:s23] =	ssyncset.done $0x0  }
0xa4: {  	s25 =	simm.s32 $0x1B8E;
	s24 =	sld [smem:$0x3FFE];
	[sflag:s23] =	ssyncadd.s32 $0xFFFFFFFF  }
0xa5: {  	s26 =	simm.s32 $execute0_lowered;
	[smem:$0x3FD2] =	sst s25  }
0xa6: {  	s4 =	sshll.u32 s26, $0x1;
	_ =	strace $0x8000004C;
	[dreg:$0x1] =	wrdreg $0xFFFFFFFF  }
0xa7: {  	s28 =	simm.s32 $_size_execute0_lowered;
	s2 =	sadd.s32 s2, s4;
	[dreg:$0x0] =	wrdreg $0x0  }
0xa8: {  	s4 =	sshll.u32 s28, $0x1;
	[dreg:$0x2] =	wrdreg s2  }
0xa9: {  	[dreg:$0x3] =	wrdreg s4  }
0xaa: {  	[dreg:$0x4] =	wrdreg $0xC0  }
0xab: {  	_ =	task [dreg:s6], $0x5FFFF  }
0xac: {  	[dreg:$0x1] =	wrdreg $0xFFFFFFFF  }
0xad: {  	[dreg:$0x0] =	wrdreg $0x60  }
0xae: {  	[dreg:$0x2] =	wrdreg s24  }
0xaf: {  	[dreg:$0x3] =	wrdreg $0x9  }
0xb0: {  	_ =	task.clear_ibuf [dreg:s6], $0x4FFFF;
	_ =	strace $0x9000004C  }
0xb1: {  	s29 =	simm.s32 $0x9;
	_ =	strace $0x8000004E  }
0xb2: {  	_ =	swait.ge [sflag:s29], $0x1  }
0xb3: {  	[sflag:s29] =	ssyncadd.s32 $0xFFFFFFFF  }
0xb4: {  	_ =	strace $0x9000004E  }
0xb5: {  	_ =	sfence  }
0xb6: {  	s30 =	sld [smem:$0x0];
	_ =	sdelay $0x2  }
0xb7: {  	s31 =	sshll.u32 s1, $0xD;
	s1 =	sshrl.u32 s1, $0x2  }
0xb8: {  	s3 =	sand.u32 $0x4000, s31;
	s1 =	sadd.s32 s1, s30  }
0xb9: {  	s0 =	sor.u32 s3, s0;
	s1 =	sshll.u32 s1, $0x11  }
0xba: {  	s0 =	sor.u32 s1, s0  }
0xbb: {  	s0 =	sadd.s32 $0x8F2B, s0  }
0xbc: {  	[sflag:s0] =	ssyncadd.remote.s32 $0x1  }
0xbd: {  	_ =	sfence.sel $0xFFFF  }
0xbe: {  	[dreg:$0x0] =	wrdreg $0xFFFFFFFF;
	(pc) =	sbr.abs _section_cstart, $3  }
0xbf: {  	[dreg:$0x1] =	wrdreg $0xFFFFFFFF  }
0xc0: {  	_ =	task.clear_ibuf [dreg:s6], $0x2FFFF;
	_ =	strace $0x9FFFFFFF  }
0xc1: {  	(tm) =	ssettm $0x7FFFFFFF  }
tec
execute0_lowered:
.L_overlay_start_1:
0x0: {  	(tag) =	ssettag $0x1  }
0x1: {  	s4 =	rddreg [dreg:$0x0]  }
0x2: {  	s0 =	rddreg [dreg:$0x1];
	s2 =	simm.s32 $0x0;
	s1 =	stileid.u32  }
0x3: {  	s3 =	srdreg.scid;
	s10 =	simm.s32 $0x0;
	s6 =	smul.u32 $0x2800, s1  }
0x4: {  	[smem:$0x7FF] =	sst s2;
	s5 =	sand.u32 $0x1, s3;
	s8 =	smul.u32 $0x28000, s1  }
0x5: {  	s3 =	sadd.s32 $0x11000, s4;
	s7 =	smul.u32 $0x1400, s5;
	s9 =	ssub.s32 $0x2, s5  }
0x6: {  	_ =	strace $0x8000004D;
	s5 =	smul.u32 $0x14000, s5;
	s31 =	sshrl.u32 s9, $0x1  }
0x7: {  	s8 =	sadd.s32 s8, s4;
	s6 =	sadd.s32 s7, s6;
	s7 =	ssub.s32 s9, s31  }
0x8: {  	s5 =	sadd.s32 s5, s8;
	s8 =	simm.s32 $0x80;
	s6 =	sshrl.u32 s6, $0x3  }
0x9: {  	s9 =	simm.s32 $0x1;
	s5 =	sadd.s32 $0x510400, s5;
	s6 =	sadd.s32 s6, s4  }
0xa: {  	s4 =	smax.u32 s7, $0x1;
	s7 =	simm.s32 $0x2;
	s6 =	sadd.s32 $0x5E00, s6  }
.LBB2_1:
0xb: {  	s11 =	sadd.s32 $0x0, s6  }
0xc: {  	[tilespmem:s2], [sflag:$0x2] =	stream.linear.gather [hbm4b:s11+s2], $0x80, $0x38;
	[tilespmem:$0x4080] =	vst v63  }
0xd: {  	_ =	swait.ge [sflag:s7], $0x80  }
0xe: {  	[sflag:s7] =	ssyncset.done $0x0  }
0xf: {  	[sflag:s7] =	ssyncadd.s32 $0xFFFFFF80  }
0x10: {  	[tilespmem:s8], [sflag:$0x1] =	stream.indirect.gather [hbm4b:s3+s8], $0x80, s2, s8, $0xb8;
	[tilespmem:$0x4080] =	vst v63  }
0x11: {  	_ =	swait.ge [sflag:s9], $0x4000  }
0x12: {  	[sflag:s9] =	ssyncset.done $0x0  }
0x13: {  	[sflag:s9] =	ssyncadd.s32 $0xFFFFC000  }
0x14: {  	[hbm4b:s5+s2] =	stream.linear.scatter [tilespmem:s8], [sflag:$0x2], $0x4000, $0x38;
	[tilespmem:$0x4080] =	vst v63  }
0x15: {  	s12 =	simm.s32 $0x10;
	_ =	swait.ge [sflag:s7], $0x4000  }
0x16: {  	s13 =	simm.s32 $0x20;
	s11 =	sadd.s32 $0x800, s5;
	[sflag:s7] =	ssyncset.done $0x0  }
.LBB2_2:
0x17: {  	s14 =	sadd.s32 s12, s6  }
0x18: {  	[sflag:s7] =	ssyncadd.s32 $0xFFFFC000;
	s12 =	smov.u32 s13;
	s15 =	sadd.s32 $0x10, s13  }
0x19: {  	[tilespmem:s2], [sflag:$0x2] =	stream.linear.gather [hbm4b:s14+s2], $0x80, $0x38;
	[tilespmem:$0x4080] =	vst v63  }
0x1a: {  	p0 =	sne.s32 s13, $0x270;
	_ =	swait.ge [sflag:s7], $0x80  }
0x1b: {  	[sflag:s7] =	ssyncset.done $0x0  }
0x1c: {  	[sflag:s7] =	ssyncadd.s32 $0xFFFFFF80  }
0x1d: {  	[tilespmem:s8], [sflag:$0x1] =	stream.indirect.gather [hbm4b:s3+s8], $0x80, s2, s8, $0xb8;
	[tilespmem:$0x4080] =	vst v63  }
0x1e: {  	_ =	swait.ge [sflag:s9], $0x4000  }
.Ltmp0:
0x1f: {  	[sflag:s9] =	ssyncset.done $0x0;
	(pc) =	sbr.rel @p0 .LBB2_2-.Ltmp0, $4  }
0x20: {  	[sflag:s9] =	ssyncadd.s32 $0xFFFFC000  }
0x21: {  	[hbm4b:s11+s2] =	stream.linear.scatter [tilespmem:s8], [sflag:$0x2], $0x4000, $0x38;
	[tilespmem:$0x4080] =	vst v63  }
0x22: {  	_ =	swait.ge [sflag:s7], $0x4000  }
0x23: {  	s13 =	smov.u32 s15;
	s11 =	sadd.s32 $0x800, s11;
	[sflag:s7] =	ssyncset.done $0x0  }
0x24: {  	s12 =	sadd.s32 s12, s6;
	[sflag:s7] =	ssyncadd.s32 $0xFFFFC000  }
0x25: {  	[tilespmem:s2], [sflag:$0x2] =	stream.linear.gather [hbm4b:s12+s2], $0x80, $0x38;
	[tilespmem:$0x4080] =	vst v63  }
0x26: {  	_ =	swait.ge [sflag:s7], $0x80  }
0x27: {  	[sflag:s7] =	ssyncset.done $0x0  }
0x28: {  	[sflag:s7] =	ssyncadd.s32 $0xFFFFFF80  }
0x29: {  	[tilespmem:s8], [sflag:$0x1] =	stream.indirect.gather [hbm4b:s3+s8], $0x80, s2, s8, $0xb8;
	[tilespmem:$0x4080] =	vst v63  }
0x2a: {  	s10 =	sadd.s32 $0x1, s10;
	_ =	swait.ge [sflag:s9], $0x4000  }
0x2b: {  	p0 =	sne.s32 s10, s4;
	[sflag:s9] =	ssyncset.done $0x0  }
.Ltmp1:
0x2c: {  	[sflag:s9] =	ssyncadd.s32 $0xFFFFC000;
	(pc) =	sbr.rel @p0 .LBB2_1-.Ltmp1, $4  }
0x2d: {  	[hbm4b:s11+s2] =	stream.linear.scatter [tilespmem:s8], [sflag:$0x2], $0x4000, $0x38;
	[tilespmem:$0x4080] =	vst v63  }
0x2e: {  	_ =	swait.ge [sflag:s7], $0x4000  }
0x2f: {  	[sflag:s7] =	ssyncset.done $0x0  }
0x30: {  	[sflag:s7] =	ssyncadd.s32 $0xFFFFC000  }
0x31: {  	_ =	sfence.sel $0x180000  }
0x32: {  	[bflag:$0x0] =	sbarrier.arrive $0xFFFF  }
0x33: {  	p0 =	sne.s32 s1, $0x0;
	_ =	strace $0x9000004D  }
0x34: {  	s0 =	sadd.s32 @!p0 $0x100000, s0;
	[bflag:$0x2] =	sbarrier.arrive $0xFFFF  }
0x35: {  	[sflag:s0] =	ssyncadd.tile.s32 @!p0 $0x1;
	_ =	shalt  }
.Lfunc_end2:
_tile_overlayer_lowered:
.L_overlay_start_2:
0x36: {  	(tag) =	ssettag $0x2  }
0x37: {  	s0 =	rddreg [dreg:$0x0];
	s2 =	stileid.u32  }
0x38: {  	s1 =	rddreg [dreg:$0x1];
	p0 =	sne.s32 s2, $0x0  }
0x39: {  	s3 =	rddreg [dreg:$0x2];
	[bflag:$0x3] =	sbarrier.arrive $0xFFFF;
	s2 =	simm.s32 @!p0 $0x1C02  }
0x3a: {  	[timem:s3], [sflag:s2] =	dma.local @!p0 [hbm:s0], s1  }
0x3b: {  	s0 =	simm.s32 @!p0 $0x2  }
0x3c: {  	_ =	swait.ge @!p0 [sflag:s0], s1  }
0x3d: {  	s1 =	ssub.s32 @!p0 $0x0, s1;
	[sflag:s0] =	ssyncset.done @!p0 $0x0  }
0x3e: {  	[sflag:s0] =	ssyncadd.s32 @!p0 s1  }
0x3f: {  	[bflag:$0x3] =	sbarrier.arrive $0xFFFF  }
0x40: {  	_ =	shalt  }

// kernel: kernel.23.cloned.1.call-start
scs
__scs_entry_jumppad:
0x0: {  	(pc) =	sbr.rel $0x88, $3  }
0x1: {  	(tag) =	ssettag $0x0;
	lr =	simm.s32 $0x1  }
0x2: {  	[smem:$0x3F98] =	sst lr;
	_ =	strace $0xD0000000  }
0x3: {  	_ = 	snop  }
0x4: {  	_ = 	snop  }
0x5: {  	_ = 	snop  }
0x6: {  	_ = 	snop  }
0x7: {  	_ = 	snop  }
__scs_overlays_trampoline_lowered:
0x8: {  	[smem:$0x3FA7] =	sst s0  }
0x9: {  	[smem:$0x3FA8] =	sst s1  }
0xa: {  	[smem:$0x3FA9] =	sst s2  }
0xb: {  	[smem:$0x3FAA] =	sst s3  }
0xc: {  	[smem:$0x3FAB] =	sst s4  }
0xd: {  	[smem:$0x3FAC] =	sst s5  }
0xe: {  	[smem:$0x3FAD] =	sst s6  }
0xf: {  	[smem:$0x3FAE] =	sst s7  }
0x10: {  	[smem:$0x3FAF] =	sst s8  }
0x11: {  	[smem:$0x3FB0] =	sst s9;
	s0 =	simm.s32 @!p0 $0x0  }
0x12: {  	s1 =	sld [smem:$0x3F96];
	s0 =	simm.s32 @p0 $0x1  }
0x13: {  	[smem:$0x3FB1] =	sst s0;
	s0 =	simm.s32 @!p1 $0x0  }
0x14: {  	s2 =	sld [smem:$0x3F95];
	s0 =	simm.s32 @p1 $0x1  }
0x15: {  	[smem:$0x3FB2] =	sst s0;
	s0 =	simm.s32 @!p2 $0x0  }
0x16: {  	s3 =	sld [smem:$0x3FDB];
	s0 =	simm.s32 @p2 $0x1  }
0x17: {  	s4 =	simm.s32 $0x1BF5;
	[smem:$0x3FB4] =	sst s0  }
0x18: {  	s0 =	sld [smem:$0x3F97];
	_ =	swait.ge [sflag:s4], $0x0  }
0x19: {  	s7 =	sld [smem:$0x3F98]  }
0x1a: {  	s8 =	sadd.s32 $0xFFFFE003, lr  }
0x1b: {  	s9 =	sadd.s32 $0xFFFFFEF7, lr;
	s5 =	simm.s32 $0xFFFFFFFF;
	p2 =	slt.u32 s8, $0xFFFFF086  }
0x1c: {  	p1 =	slt.u32 s9, $0xF7A;
	s5 =	simm.s32 @!p2 $0x0  }
0x1d: {  	s5 =	simm.s32 @p1 $0x1;
	p0 =	seq.s32 s7, s2  }
0x1e: {  	s7 =	smul.u32 @!p0 $0xF7A, s2;
	p2 =	seq.s32 @!p0 s5, $0x0  }
0x1f: {  	s9 =	smul.u32 $0xF7A, s1;
	s8 =	simm.s32 @!p0 $0x1BF5;
	p2 =	por !p2, p0  }
0x20: {  	[sflag:s8] =	ssyncset.s32 @!p0 $0xFFFFF086;
	s6 =	sadd.s32 @!p0 s3, s7;
	s7 =	simm.s32 @!p0 $0x108  }
0x21: {  	s3 =	sadd.s32 s3, s9;
	s6 =	sadd.s32 @!p0 $0x88, s6;
	s7 =	simm.s32 @p2 $0x1082  }
0x22: {  	[simem:s7], [sflag:s8] =	dma.local @!p0 [hbm:s6], $0xF7A  }
0x23: {  	s9 =	sor.u32 $0xD0000000, s2;
	s6 =	simm.s32 $0x108;
	_ =	swait.ge @!p0 [sflag:s8], $0x0  }
0x24: {  	s3 =	sadd.s32 $0x88, s3;
	s6 =	simm.s32 @!p1 $0x1082;
	[sflag:s4] =	ssyncset.s32 $0xFFFFF086  }
0x25: {  	[simem:s6], [sflag:s4] =	dma.local [hbm:s3], $0xF7A  }
0x26: {  	[smem:$0x3F98] =	sst s1;
	(tag) =	ssettag s2;
	_ =	strace s9  }
0x27: {  	s1 =	sld [smem:$0x3FA8]  }
0x28: {  	s2 =	sld [smem:$0x3FA9]  }
0x29: {  	s4 =	sld [smem:$0x3FAB]  }
0x2a: {  	p0 =	seq.s32 s5, $0x0;
	s5 =	sld [smem:$0x3FAC]  }
0x2b: {  	s6 =	sld [smem:$0x3FAD]  }
0x2c: {  	s7 =	sld [smem:$0x3FAE]  }
0x2d: {  	s3 =	simm.s32 $0x108;
	s8 =	sld [smem:$0x3FAF]  }
0x2e: {  	s3 =	simm.s32 @!p0 $0x1082;
	s9 =	sld [smem:$0x3FB0]  }
0x2f: {  	lr =	sadd.s32 s0, s3;
	s0 =	sld [smem:$0x3FA7]  }
0x30: {  	s3 =	sld [smem:$0x3FAA]  }
0x31: {  	[smem:$0x3FB3] =	sst s10  }
0x32: {  	s10 =	sld [smem:$0x3FB1];
	_ =	sdelay $0x3  }
0x33: {  	p0 =	seq.s32 s10, $0x1;
	s10 =	sld [smem:$0x3FB3];
	_ =	sdelay $0x3  }
0x34: {  	[smem:$0x3FB3] =	sst s10  }
0x35: {  	s10 =	sld [smem:$0x3FB2];
	_ =	sdelay $0x3  }
0x36: {  	p1 =	seq.s32 s10, $0x1;
	s10 =	sld [smem:$0x3FB3];
	_ =	sdelay $0x3  }
0x37: {  	[smem:$0x3FB3] =	sst s10  }
0x38: {  	s10 =	sld [smem:$0x3FB4]  }
0x39: {  	_ = 	snop;
	(pc) =	sbr.ind lr, $3  }
0x3a: {  	_ = 	snop  }
0x3b: {  	_ = 	snop  }
0x3c: {  	p2 =	seq.s32 s10, $0x1;
	s10 =	sld [smem:$0x3FB3]  }
0x3d: {  	_ =	shalt  }
0x3e: {  	_ =	shalt  }
0x3f: {  	_ =	shalt  }
0x40: {  	_ =	shalt  }
0x41: {  	_ =	shalt  }
0x42: {  	_ =	shalt  }
0x43: {  	_ =	shalt  }
0x44: {  	_ =	shalt  }
0x45: {  	_ =	shalt  }
0x46: {  	_ =	shalt  }
0x47: {  	_ =	shalt  }
0x48: {  	_ =	shalt  }
0x49: {  	_ =	shalt  }
0x4a: {  	_ =	shalt  }
0x4b: {  	_ =	shalt  }
0x4c: {  	_ =	shalt  }
0x4d: {  	_ =	shalt  }
0x4e: {  	_ =	shalt  }
0x4f: {  	_ =	shalt  }
0x50: {  	_ =	shalt  }
0x51: {  	_ =	shalt  }
0x52: {  	_ =	shalt  }
0x53: {  	_ =	shalt  }
0x54: {  	_ =	shalt  }
0x55: {  	_ =	shalt  }
0x56: {  	_ =	shalt  }
0x57: {  	_ =	shalt  }
0x58: {  	_ =	shalt  }
0x59: {  	_ =	shalt  }
0x5a: {  	_ =	shalt  }
0x5b: {  	_ =	shalt  }
0x5c: {  	_ =	shalt  }
0x5d: {  	_ =	shalt  }
0x5e: {  	_ =	shalt  }
0x5f: {  	_ =	shalt  }
0x60: {  	_ =	shalt  }
0x61: {  	_ =	shalt  }
0x62: {  	_ =	shalt  }
0x63: {  	_ =	shalt  }
0x64: {  	_ =	shalt  }
0x65: {  	_ =	shalt  }
0x66: {  	_ =	shalt  }
0x67: {  	_ =	shalt  }
0x68: {  	_ =	shalt  }
0x69: {  	_ =	shalt  }
0x6a: {  	_ =	shalt  }
0x6b: {  	_ =	shalt  }
0x6c: {  	_ =	shalt  }
0x6d: {  	_ =	shalt  }
0x6e: {  	_ =	shalt  }
0x6f: {  	_ =	shalt  }
0x70: {  	_ =	shalt  }
0x71: {  	_ =	shalt  }
0x72: {  	_ =	shalt  }
0x73: {  	_ =	shalt  }
0x74: {  	_ =	shalt  }
0x75: {  	_ =	shalt  }
0x76: {  	_ =	shalt  }
0x77: {  	_ =	shalt  }
0x78: {  	_ =	shalt  }
0x79: {  	_ =	shalt  }
0x7a: {  	_ =	shalt  }
0x7b: {  	_ =	shalt  }
0x7c: {  	_ =	shalt  }
0x7d: {  	_ =	shalt  }
0x7e: {  	_ =	shalt  }
0x7f: {  	_ =	shalt  }
0x80: {  	_ =	shalt  }
0x81: {  	_ =	shalt  }
0x82: {  	_ =	shalt  }
0x83: {  	_ =	shalt  }
0x84: {  	_ =	shalt  }
0x85: {  	_ =	shalt  }
0x86: {  	_ =	shalt  }
0x87: {  	_ =	shalt  }
.Lfunc_end0:
.L_simem_size_0:
called_computation.3_lowered:
.L_overlay_start_0:
0x88: {  	s2 =	sld [smem:$0x3FD9]  }
0x89: {  	s3 =	sld [smem:$0x3FFE];
	_ =	sdelay $0x1  }
0x8a: {  	s1 =	srdreg.scid  }
0x8b: {  	s0 =	sand.u32 $0x1, s1  }
0x8c: {  	s17 =	sshll.u32 s0, $0xA;
	s2 =	sadd.s32 s3, s2  }
0x8d: {  	s2 =	sadd.s32 s2, s17  }
0x8e: {  	[smem:$0x3FBF] =	sst s2  }
0x8f: {  	_ = 	snop  }
0x90: {  	s2 =	sld [smem:$0x3FD0];
	(tm) =	ssettm $0x1  }
0x91: {  	s18 =	sld [smem:$0x3FFB];
	_ =	sdelay $0x3  }
0x92: {  	_ =	strace s18  }
0x93: {  	s3 =	sld [smem:$0x3FFC];
	_ =	sdelay $0x3  }
0x94: {  	_ =	strace s3  }
0x95: {  	s3 =	sld [smem:$0x3FFD];
	_ =	sdelay $0x3  }
0x96: {  	_ =	strace s3  }
0x97: {  	_ =	strace $0x8FFFFFFF  }
0x98: {  	s19 =	sld [smem:$0x3FDB];
	_ =	sdelay $0x1  }
0x99: {  	s4 =	simm.s32 $_scs_section_size  }
0x9a: {  	s5 =	simm.s32 $_size__tile_overlayer_lowered;
	s6 =	simm.s32 $_tile_overlayer_lowered  }
0x9b: {  	s22 =	simm.s32 $0x1BFF;
	s21 =	sshll.u32 s6, $0x1;
	s3 =	sadd.s32 s4, s19  }
0x9c: {  	s7 =	simm.s32 $0x0;
	s20 =	sshll.u32 s5, $0x1;
	s5 =	sadd.s32 s21, s3  }
0x9d: {  	[timem:s7], [sflag:s22] =	dma.local [hbm:s5], s20  }
0x9e: {  	_ =	swait.ge [sflag:s22], s20  }
0x9f: {  	s4 =	ssub.s32 $0x0, s20;
	[sflag:s22] =	ssyncset.done $0x0  }
0xa0: {  	[sflag:s22] =	ssyncadd.s32 s4;
	_ =	sdelay $0x1  }
0xa1: {  	s23 =	simm.s32 $0x1B8B  }
0xa2: {  	_ =	swait.ge [sflag:s23], $0x1  }
0xa3: {  	[sflag:s23] =	ssyncset.done $0x0  }
0xa4: {  	s25 =	simm.s32 $0x1B8E;
	s24 =	sld [smem:$0x3FFE];
	[sflag:s23] =	ssyncadd.s32 $0xFFFFFFFF  }
0xa5: {  	s26 =	simm.s32 $execute0_lowered;
	[smem:$0x3FD2] =	sst s25  }
0xa6: {  	s5 =	sshll.u32 s26, $0x1;
	_ =	strace $0x8000004F;
	[dreg:$0x1] =	wrdreg $0xFFFFFFFF  }
0xa7: {  	s28 =	simm.s32 $_size_execute0_lowered;
	s3 =	sadd.s32 s3, s5;
	[dreg:$0x0] =	wrdreg $0x0  }
0xa8: {  	s5 =	sshll.u32 s28, $0x1;
	[dreg:$0x2] =	wrdreg s3  }
0xa9: {  	[dreg:$0x3] =	wrdreg s5  }
0xaa: {  	[dreg:$0x4] =	wrdreg $0xC0  }
0xab: {  	_ =	task [dreg:s7], $0x5FFFF  }
0xac: {  	[dreg:$0x1] =	wrdreg $0xFFFFFFFF  }
0xad: {  	[dreg:$0x0] =	wrdreg $0x60  }
0xae: {  	[dreg:$0x2] =	wrdreg s24  }
0xaf: {  	[dreg:$0x3] =	wrdreg s2  }
0xb0: {  	[dreg:$0x4] =	wrdreg $0x40800  }
0xb1: {  	[dreg:$0x5] =	wrdreg $0x9  }
0xb2: {  	_ =	task.clear_ibuf [dreg:s7], $0x6FFFF;
	_ =	strace $0x9000004F  }
0xb3: {  	s29 =	simm.s32 $0x9;
	_ =	strace $0x80000051  }
0xb4: {  	_ =	swait.ge [sflag:s29], $0x1  }
0xb5: {  	[sflag:s29] =	ssyncadd.s32 $0xFFFFFFFF  }
0xb6: {  	_ =	strace $0x90000051  }
0xb7: {  	_ =	sfence  }
0xb8: {  	s30 =	sld [smem:$0x0];
	_ =	sdelay $0x2  }
0xb9: {  	s31 =	sshll.u32 s1, $0xD;
	s1 =	sshrl.u32 s1, $0x2  }
0xba: {  	s3 =	sand.u32 $0x4000, s31;
	s1 =	sadd.s32 s1, s30  }
0xbb: {  	s0 =	sor.u32 s3, s0;
	s1 =	sshll.u32 s1, $0x11  }
0xbc: {  	s0 =	sor.u32 s1, s0  }
0xbd: {  	s0 =	sadd.s32 $0x8F2B, s0  }
0xbe: {  	[sflag:s0] =	ssyncadd.remote.s32 $0x1  }
0xbf: {  	_ =	sfence.sel $0xFFFF  }
0xc0: {  	[dreg:$0x0] =	wrdreg $0xFFFFFFFF;
	(pc) =	sbr.abs _section_cstart, $3  }
0xc1: {  	[dreg:$0x1] =	wrdreg $0xFFFFFFFF  }
0xc2: {  	_ =	task.clear_ibuf [dreg:s7], $0x2FFFF;
	_ =	strace $0x9FFFFFFF  }
0xc3: {  	(tm) =	ssettm $0x7FFFFFFF  }
tec
execute0_lowered:
.L_overlay_start_1:
0x0: {  	(tag) =	ssettag $0x1  }
0x1: {  	s3 =	rddreg [dreg:$0x0];
	s11 =	stileid.u32  }
0x2: {  	s5 =	rddreg [dreg:$0x1];
	s4 =	smul.u32 $0x28000, s11  }
0x3: {  	s0 =	srdreg.scid;
	s7 =	smul.u32 $0x2800, s11  }
0x4: {  	s1 =	rddreg [dreg:$0x2];
	s2 =	simm.s32 $0x0;
	s23 =	smul.u32 $0x2700, s11  }
0x5: {  	s6 =	sand.u32 $0x1, s0;
	s0 =	rddreg [dreg:$0x3];
	s12 =	smul.u32 $0x4E000, s11  }
0x6: {  	[smem:$0x7FF] =	sst s2;
	s13 =	sadd.s32 $0x5F400, s3;
	s8 =	smul.u32 $0x1400, s6  }
0x7: {  	s28 =	sshll.u32 s11, $0x6;
	s16 =	sadd.s32 $0x138000, s1;
	s25 =	smul.u32 $0x27100, s6  }
0x8: {  	p0 =	sne.s32 s11, $0x0;
	_ =	strace $0x80000050;
	s29 =	smul.u32 $0x138800, s6  }
0x9: {  	s22 =	ssub.s32 $0x2, s6;
	s31 =	smul.u32 $0x14000, s6;
	s9 =	sadd.s32 s4, s3  }
0xa: {  	s24 =	sshrl.u32 s22, $0x1;
	s26 =	sshrl.u32 s12, $0x2;
	s12 =	simm.s32 $0x1  }
0xb: {  	s21 =	sadd.s32 s8, s7;
	s14 =	ssub.s32 s22, s24;
	s15 =	sadd.s32 s26, s1  }
0xc: {  	s7 =	sadd.s32 s23, s25;
	s30 =	sshrl.u32 s29, $0x3;
	s9 =	sadd.s32 s31, s9  }
0xd: {  	s4 =	sshrl.u32 s21, $0x3;
	s8 =	sadd.s32 s13, s30;
	s6 =	sadd.s32 s13, s7  }
0xe: {  	s9 =	sadd.s32 $0x790400, s9;
	s11 =	sshrl.u32 s15, $0x3;
	s13 =	sshrl.u32 @!p0 s16, $0x3  }
0xf: {  	s15 =	simm.s32 $0x0;
	s10 =	sadd.s32 s4, s3;
	s3 =	sadd.s32 s5, s23  }
0x10: {  	s4 =	sor.u32 $0x1C01, s28;
	s5 =	sadd.s32 $0x27000, s5;
	s7 =	sadd.s32 $0x27000, s8  }
0x11: {  	s8 =	smax.u32 s14, $0x1;
	s14 =	simm.s32 $0x80;
	s10 =	sadd.s32 $0x28B400, s10  }
.LBB2_1:
0x12: {  	[spmem:s11], [sflag:s4] =	dma.local [hbm:s3], $0x2700  }
0x13: {  	_ =	swait.ge [sflag:s12], $0x2700  }
0x14: {  	[sflag:s12] =	ssyncset.done $0x0  }
0x15: {  	s16 =	simm.s32 @!p0 $0x1;
	[sflag:s12] =	ssyncadd.s32 $0xFFFFD900  }
0x16: {  	[spmem:s13], [sflag:s4] =	dma.local @!p0 [hbm:s5], $0x100  }
0x17: {  	_ =	swait.ge @!p0 [sflag:s16], $0x100  }
0x18: {  	[sflag:s16] =	ssyncset.done @!p0 $0x0  }
0x19: {  	[sflag:s16] =	ssyncadd.s32 @!p0 $0xFFFFFF00  }
0x1a: {  	s31 =	sadd.s32 $0x0, s10;
	[bflag:$0x0] =	sbarrier.arrive $0xFFFF  }
0x1b: {  	[tilespmem:s2], [sflag:$0x1] =	stream.linear.gather [hbm4b:s31+s2], $0x80, $0x38;
	[tilespmem:$0x17900] =	vst v63  }
0x1c: {  	_ =	swait.ge [sflag:s12], $0x80  }
0x1d: {  	[sflag:s12] =	ssyncset.done $0x0  }
0x1e: {  	[sflag:s12] =	ssyncadd.s32 $0xFFFFFF80  }
0x1f: {  	[tilespmem:s14], [sflag:$0x1] =	stream.linear.gather [hbm4b:s9+s2], $0x4000, $0x38;
	[tilespmem:$0x17900] =	vst v63  }
0x20: {  	_ =	swait.ge [sflag:s12], $0x4000  }
0x21: {  	[sflag:s12] =	ssyncset.done $0x0  }
0x22: {  	[sflag:s12] =	ssyncadd.s32 $0xFFFFC000  }
0x23: {  	[spmem:s1] =	stream.indirect.scatter.add.f32 [tilespmem:s14], [sflag:$0x1], $0x80, s2, s14, $0xb8;
	[tilespmem:$0x17900] =	vst v63  }
0x24: {  	s17 =	simm.s32 $0x10;
	_ =	swait.ge [sflag:s12], $0x4000  }
0x25: {  	s18 =	simm.s32 $0x20;
	s16 =	sadd.s32 $0x800, s9;
	[sflag:s12] =	ssyncset.done $0x0  }
.LBB2_2:
0x26: {  	s19 =	sadd.s32 s17, s10  }
0x27: {  	[sflag:s12] =	ssyncadd.s32 $0xFFFFC000;
	s17 =	smov.u32 s18;
	s20 =	sadd.s32 $0x10, s18  }
0x28: {  	[tilespmem:s2], [sflag:$0x1] =	stream.linear.gather [hbm4b:s19+s2], $0x80, $0x38;
	[tilespmem:$0x17900] =	vst v63  }
0x29: {  	p1 =	sne.s32 s18, $0x270;
	_ =	swait.ge [sflag:s12], $0x80  }
0x2a: {  	[sflag:s12] =	ssyncset.done $0x0  }
0x2b: {  	[sflag:s12] =	ssyncadd.s32 $0xFFFFFF80  }
0x2c: {  	[tilespmem:s14], [sflag:$0x1] =	stream.linear.gather [hbm4b:s16+s2], $0x4000, $0x38;
	[tilespmem:$0x17900] =	vst v63  }
0x2d: {  	_ =	swait.ge [sflag:s12], $0x4000  }
.Ltmp0:
0x2e: {  	[sflag:s12] =	ssyncset.done $0x0;
	(pc) =	sbr.rel @p1 .LBB2_2-.Ltmp0, $4  }
0x2f: {  	[sflag:s12] =	ssyncadd.s32 $0xFFFFC000  }
0x30: {  	[spmem:s1] =	stream.indirect.scatter.add.f32 [tilespmem:s14], [sflag:$0x1], $0x80, s2, s14, $0xb8;
	[tilespmem:$0x17900] =	vst v63  }
0x31: {  	_ =	swait.ge [sflag:s12], $0x4000  }
0x32: {  	s18 =	smov.u32 s20;
	s16 =	sadd.s32 $0x800, s16;
	[sflag:s12] =	ssyncset.done $0x0  }
0x33: {  	s17 =	sadd.s32 s17, s10;
	[sflag:s12] =	ssyncadd.s32 $0xFFFFC000  }
0x34: {  	[tilespmem:s2], [sflag:$0x1] =	stream.linear.gather [hbm4b:s17+s2], $0x80, $0x38;
	[tilespmem:$0x17900] =	vst v63  }
0x35: {  	_ =	swait.ge [sflag:s12], $0x80  }
0x36: {  	[sflag:s12] =	ssyncset.done $0x0  }
0x37: {  	[sflag:s12] =	ssyncadd.s32 $0xFFFFFF80  }
0x38: {  	[tilespmem:s14], [sflag:$0x1] =	stream.linear.gather [hbm4b:s16+s2], $0x4000, $0x38;
	[tilespmem:$0x17900] =	vst v63  }
0x39: {  	_ =	swait.ge [sflag:s12], $0x4000  }
0x3a: {  	[sflag:s12] =	ssyncset.done $0x0  }
0x3b: {  	[sflag:s12] =	ssyncadd.s32 $0xFFFFC000  }
0x3c: {  	[spmem:s1] =	stream.indirect.scatter.add.f32 [tilespmem:s14], [sflag:$0x1], $0x80, s2, s14, $0xb8;
	[tilespmem:$0x17900] =	vst v63  }
0x3d: {  	_ =	swait.ge [sflag:s12], $0x4000  }
0x3e: {  	[sflag:s12] =	ssyncset.done $0x0  }
0x3f: {  	[sflag:s12] =	ssyncadd.s32 $0xFFFFC000  }
0x40: {  	[bflag:$0x0] =	sbarrier.arrive $0xFFFF  }
0x41: {  	[hbm:s6], [sflag:s4] =	dma.local [spmem:s11], $0x2700  }
0x42: {  	s15 =	sadd.s32 $0x1, s15;
	_ =	swait.ge [sflag:s12], $0x2700  }
0x43: {  	p1 =	sne.s32 s15, s8;
	[sflag:s12] =	ssyncset.done $0x0  }
.Ltmp1:
0x44: {  	s16 =	simm.s32 @!p0 $0x1;
	[sflag:s12] =	ssyncadd.s32 $0xFFFFD900;
	(pc) =	sbr.rel @p1 .LBB2_1-.Ltmp1, $4  }
0x45: {  	[hbm:s7], [sflag:s4] =	dma.local @!p0 [spmem:s13], $0x100  }
0x46: {  	_ =	swait.ge @!p0 [sflag:s16], $0x100  }
0x47: {  	[sflag:s16] =	ssyncset.done @!p0 $0x0  }
0x48: {  	[sflag:s16] =	ssyncadd.s32 @!p0 $0xFFFFFF00  }
0x49: {  	_ =	sfence.sel $0x180000  }
0x4a: {  	[bflag:$0x0] =	sbarrier.arrive $0xFFFF  }
0x4b: {  	_ =	strace $0x90000050  }
0x4c: {  	s0 =	sadd.s32 @!p0 $0x100000, s0;
	[bflag:$0x2] =	sbarrier.arrive $0xFFFF  }
0x4d: {  	[sflag:s0] =	ssyncadd.tile.s32 @!p0 $0x1;
	_ =	shalt  }
.Lfunc_end2:
_tile_overlayer_lowered:
.L_overlay_start_2:
0x4e: {  	(tag) =	ssettag $0x2  }
0x4f: {  	s0 =	rddreg [dreg:$0x0];
	s2 =	stileid.u32  }
0x50: {  	s1 =	rddreg [dreg:$0x1];
	p0 =	sne.s32 s2, $0x0  }
0x51: {  	s3 =	rddreg [dreg:$0x2];
	[bflag:$0x3] =	sbarrier.arrive $0xFFFF;
	s2 =	simm.s32 @!p0 $0x1C01  }
0x52: {  	[timem:s3], [sflag:s2] =	dma.local @!p0 [hbm:s0], s1  }
0x53: {  	s0 =	simm.s32 @!p0 $0x1  }
0x54: {  	_ =	swait.ge @!p0 [sflag:s0], s1  }
0x55: {  	s1 =	ssub.s32 @!p0 $0x0, s1;
	[sflag:s0] =	ssyncset.done @!p0 $0x0  }
0x56: {  	[sflag:s0] =	ssyncadd.s32 @!p0 s1  }
0x57: {  	[bflag:$0x3] =	sbarrier.arrive $0xFFFF  }
0x58: {  	_ =	shalt  }

// kernel: kernel.26.cloned.1.call-start
scs
__scs_entry_jumppad:
0x0: {  	(pc) =	sbr.rel $0x88, $3  }
0x1: {  	(tag) =	ssettag $0x0;
	lr =	simm.s32 $0x1  }
0x2: {  	[smem:$0x3F98] =	sst lr;
	_ =	strace $0xD0000000  }
0x3: {  	_ = 	snop  }
0x4: {  	_ = 	snop  }
0x5: {  	_ = 	snop  }
0x6: {  	_ = 	snop  }
0x7: {  	_ = 	snop  }
__scs_overlays_trampoline_lowered:
0x8: {  	[smem:$0x3FA7] =	sst s0  }
0x9: {  	[smem:$0x3FA8] =	sst s1  }
0xa: {  	[smem:$0x3FA9] =	sst s2  }
0xb: {  	[smem:$0x3FAA] =	sst s3  }
0xc: {  	[smem:$0x3FAB] =	sst s4  }
0xd: {  	[smem:$0x3FAC] =	sst s5  }
0xe: {  	[smem:$0x3FAD] =	sst s6  }
0xf: {  	[smem:$0x3FAE] =	sst s7  }
0x10: {  	[smem:$0x3FAF] =	sst s8  }
0x11: {  	[smem:$0x3FB0] =	sst s9;
	s0 =	simm.s32 @!p0 $0x0  }
0x12: {  	s1 =	sld [smem:$0x3F96];
	s0 =	simm.s32 @p0 $0x1  }
0x13: {  	[smem:$0x3FB1] =	sst s0;
	s0 =	simm.s32 @!p1 $0x0  }
0x14: {  	s2 =	sld [smem:$0x3F95];
	s0 =	simm.s32 @p1 $0x1  }
0x15: {  	[smem:$0x3FB2] =	sst s0;
	s0 =	simm.s32 @!p2 $0x0  }
0x16: {  	s3 =	sld [smem:$0x3FDB];
	s0 =	simm.s32 @p2 $0x1  }
0x17: {  	s4 =	simm.s32 $0x1BF5;
	[smem:$0x3FB4] =	sst s0  }
0x18: {  	s0 =	sld [smem:$0x3F97];
	_ =	swait.ge [sflag:s4], $0x0  }
0x19: {  	s7 =	sld [smem:$0x3F98]  }
0x1a: {  	s8 =	sadd.s32 $0xFFFFE003, lr  }
0x1b: {  	s9 =	sadd.s32 $0xFFFFFEF7, lr;
	s5 =	simm.s32 $0xFFFFFFFF;
	p2 =	slt.u32 s8, $0xFFFFF086  }
0x1c: {  	p1 =	slt.u32 s9, $0xF7A;
	s5 =	simm.s32 @!p2 $0x0  }
0x1d: {  	s5 =	simm.s32 @p1 $0x1;
	p0 =	seq.s32 s7, s2  }
0x1e: {  	s7 =	smul.u32 @!p0 $0xF7A, s2;
	p2 =	seq.s32 @!p0 s5, $0x0  }
0x1f: {  	s9 =	smul.u32 $0xF7A, s1;
	s8 =	simm.s32 @!p0 $0x1BF5;
	p2 =	por !p2, p0  }
0x20: {  	[sflag:s8] =	ssyncset.s32 @!p0 $0xFFFFF086;
	s6 =	sadd.s32 @!p0 s3, s7;
	s7 =	simm.s32 @!p0 $0x108  }
0x21: {  	s3 =	sadd.s32 s3, s9;
	s6 =	sadd.s32 @!p0 $0x88, s6;
	s7 =	simm.s32 @p2 $0x1082  }
0x22: {  	[simem:s7], [sflag:s8] =	dma.local @!p0 [hbm:s6], $0xF7A  }
0x23: {  	s9 =	sor.u32 $0xD0000000, s2;
	s6 =	simm.s32 $0x108;
	_ =	swait.ge @!p0 [sflag:s8], $0x0  }
0x24: {  	s3 =	sadd.s32 $0x88, s3;
	s6 =	simm.s32 @!p1 $0x1082;
	[sflag:s4] =	ssyncset.s32 $0xFFFFF086  }
0x25: {  	[simem:s6], [sflag:s4] =	dma.local [hbm:s3], $0xF7A  }
0x26: {  	[smem:$0x3F98] =	sst s1;
	(tag) =	ssettag s2;
	_ =	strace s9  }
0x27: {  	s1 =	sld [smem:$0x3FA8]  }
0x28: {  	s2 =	sld [smem:$0x3FA9]  }
0x29: {  	s4 =	sld [smem:$0x3FAB]  }
0x2a: {  	p0 =	seq.s32 s5, $0x0;
	s5 =	sld [smem:$0x3FAC]  }
0x2b: {  	s6 =	sld [smem:$0x3FAD]  }
0x2c: {  	s7 =	sld [smem:$0x3FAE]  }
0x2d: {  	s3 =	simm.s32 $0x108;
	s8 =	sld [smem:$0x3FAF]  }
0x2e: {  	s3 =	simm.s32 @!p0 $0x1082;
	s9 =	sld [smem:$0x3FB0]  }
0x2f: {  	lr =	sadd.s32 s0, s3;
	s0 =	sld [smem:$0x3FA7]  }
0x30: {  	s3 =	sld [smem:$0x3FAA]  }
0x31: {  	[smem:$0x3FB3] =	sst s10  }
0x32: {  	s10 =	sld [smem:$0x3FB1];
	_ =	sdelay $0x3  }
0x33: {  	p0 =	seq.s32 s10, $0x1;
	s10 =	sld [smem:$0x3FB3];
	_ =	sdelay $0x3  }
0x34: {  	[smem:$0x3FB3] =	sst s10  }
0x35: {  	s10 =	sld [smem:$0x3FB2];
	_ =	sdelay $0x3  }
0x36: {  	p1 =	seq.s32 s10, $0x1;
	s10 =	sld [smem:$0x3FB3];
	_ =	sdelay $0x3  }
0x37: {  	[smem:$0x3FB3] =	sst s10  }
0x38: {  	s10 =	sld [smem:$0x3FB4]  }
0x39: {  	_ = 	snop;
	(pc) =	sbr.ind lr, $3  }
0x3a: {  	_ = 	snop  }
0x3b: {  	_ = 	snop  }
0x3c: {  	p2 =	seq.s32 s10, $0x1;
	s10 =	sld [smem:$0x3FB3]  }
0x3d: {  	_ =	shalt  }
0x3e: {  	_ =	shalt  }
0x3f: {  	_ =	shalt  }
0x40: {  	_ =	shalt  }
0x41: {  	_ =	shalt  }
0x42: {  	_ =	shalt  }
0x43: {  	_ =	shalt  }
0x44: {  	_ =	shalt  }
0x45: {  	_ =	shalt  }
0x46: {  	_ =	shalt  }
0x47: {  	_ =	shalt  }
0x48: {  	_ =	shalt  }
0x49: {  	_ =	shalt  }
0x4a: {  	_ =	shalt  }
0x4b: {  	_ =	shalt  }
0x4c: {  	_ =	shalt  }
0x4d: {  	_ =	shalt  }
0x4e: {  	_ =	shalt  }
0x4f: {  	_ =	shalt  }
0x50: {  	_ =	shalt  }
0x51: {  	_ =	shalt  }
0x52: {  	_ =	shalt  }
0x53: {  	_ =	shalt  }
0x54: {  	_ =	shalt  }
0x55: {  	_ =	shalt  }
0x56: {  	_ =	shalt  }
0x57: {  	_ =	shalt  }
0x58: {  	_ =	shalt  }
0x59: {  	_ =	shalt  }
0x5a: {  	_ =	shalt  }
0x5b: {  	_ =	shalt  }
0x5c: {  	_ =	shalt  }
0x5d: {  	_ =	shalt  }
0x5e: {  	_ =	shalt  }
0x5f: {  	_ =	shalt  }
0x60: {  	_ =	shalt  }
0x61: {  	_ =	shalt  }
0x62: {  	_ =	shalt  }
0x63: {  	_ =	shalt  }
0x64: {  	_ =	shalt  }
0x65: {  	_ =	shalt  }
0x66: {  	_ =	shalt  }
0x67: {  	_ =	shalt  }
0x68: {  	_ =	shalt  }
0x69: {  	_ =	shalt  }
0x6a: {  	_ =	shalt  }
0x6b: {  	_ =	shalt  }
0x6c: {  	_ =	shalt  }
0x6d: {  	_ =	shalt  }
0x6e: {  	_ =	shalt  }
0x6f: {  	_ =	shalt  }
0x70: {  	_ =	shalt  }
0x71: {  	_ =	shalt  }
0x72: {  	_ =	shalt  }
0x73: {  	_ =	shalt  }
0x74: {  	_ =	shalt  }
0x75: {  	_ =	shalt  }
0x76: {  	_ =	shalt  }
0x77: {  	_ =	shalt  }
0x78: {  	_ =	shalt  }
0x79: {  	_ =	shalt  }
0x7a: {  	_ =	shalt  }
0x7b: {  	_ =	shalt  }
0x7c: {  	_ =	shalt  }
0x7d: {  	_ =	shalt  }
0x7e: {  	_ =	shalt  }
0x7f: {  	_ =	shalt  }
0x80: {  	_ =	shalt  }
0x81: {  	_ =	shalt  }
0x82: {  	_ =	shalt  }
0x83: {  	_ =	shalt  }
0x84: {  	_ =	shalt  }
0x85: {  	_ =	shalt  }
0x86: {  	_ =	shalt  }
0x87: {  	_ =	shalt  }
.Lfunc_end0:
.L_simem_size_0:
called_computation.4_lowered:
.L_overlay_start_0:
0x88: {  	s2 =	sld [smem:$0x3FD9]  }
0x89: {  	s3 =	sld [smem:$0x3FFE];
	_ =	sdelay $0x1  }
0x8a: {  	s1 =	srdreg.scid  }
0x8b: {  	s0 =	sand.u32 $0x1, s1  }
0x8c: {  	s16 =	sshll.u32 s0, $0xA;
	s2 =	sadd.s32 s3, s2  }
0x8d: {  	s2 =	sadd.s32 s2, s16  }
0x8e: {  	[smem:$0x3FBF] =	sst s2  }
0x8f: {  	_ = 	snop  }
0x90: {  	(tm) =	ssettm $0x1  }
0x91: {  	s17 =	sld [smem:$0x3FFB];
	_ =	sdelay $0x3  }
0x92: {  	_ =	strace s17  }
0x93: {  	s2 =	sld [smem:$0x3FFC];
	_ =	sdelay $0x3  }
0x94: {  	_ =	strace s2  }
0x95: {  	s2 =	sld [smem:$0x3FFD];
	_ =	sdelay $0x3  }
0x96: {  	_ =	strace s2  }
0x97: {  	_ =	strace $0x8FFFFFFF  }
0x98: {  	s18 =	sld [smem:$0x3FDB];
	_ =	sdelay $0x1  }
0x99: {  	s19 =	simm.s32 $_scs_section_size  }
0x9a: {  	s4 =	simm.s32 $_size__tile_overlayer_lowered;
	s5 =	simm.s32 $_tile_overlayer_lowered  }
0x9b: {  	s22 =	simm.s32 $0x1BFF;
	s21 =	sshll.u32 s5, $0x1;
	s2 =	sadd.s32 s19, s18  }
0x9c: {  	s6 =	simm.s32 $0x0;
	s20 =	sshll.u32 s4, $0x1;
	s4 =	sadd.s32 s21, s2  }
0x9d: {  	[timem:s6], [sflag:s22] =	dma.local [hbm:s4], s20  }
0x9e: {  	_ =	swait.ge [sflag:s22], s20  }
0x9f: {  	s3 =	ssub.s32 $0x0, s20;
	[sflag:s22] =	ssyncset.done $0x0  }
0xa0: {  	[sflag:s22] =	ssyncadd.s32 s3;
	_ =	sdelay $0x1  }
0xa1: {  	s23 =	simm.s32 $0x1B8B  }
0xa2: {  	_ =	swait.ge [sflag:s23], $0x1  }
0xa3: {  	[sflag:s23] =	ssyncset.done $0x0  }
0xa4: {  	s25 =	simm.s32 $0x1B8E;
	s24 =	sld [smem:$0x3FFE];
	[sflag:s23] =	ssyncadd.s32 $0xFFFFFFFF  }
0xa5: {  	s26 =	simm.s32 $execute0_lowered;
	[smem:$0x3FD2] =	sst s25  }
0xa6: {  	s4 =	sshll.u32 s26, $0x1;
	_ =	strace $0x80000052;
	[dreg:$0x1] =	wrdreg $0xFFFFFFFF  }
0xa7: {  	s28 =	simm.s32 $_size_execute0_lowered;
	s2 =	sadd.s32 s2, s4;
	[dreg:$0x0] =	wrdreg $0x0  }
0xa8: {  	s4 =	sshll.u32 s28, $0x1;
	[dreg:$0x2] =	wrdreg s2  }
0xa9: {  	[dreg:$0x3] =	wrdreg s4  }
0xaa: {  	[dreg:$0x4] =	wrdreg $0xC0  }
0xab: {  	_ =	task [dreg:s6], $0x5FFFF  }
0xac: {  	[dreg:$0x1] =	wrdreg $0xFFFFFFFF  }
0xad: {  	[dreg:$0x0] =	wrdreg $0x60  }
0xae: {  	[dreg:$0x2] =	wrdreg s24  }
0xaf: {  	[dreg:$0x3] =	wrdreg $0x9  }
0xb0: {  	_ =	task.clear_ibuf [dreg:s6], $0x4FFFF;
	_ =	strace $0x90000052  }
0xb1: {  	s29 =	simm.s32 $0x9;
	_ =	strace $0x80000054  }
0xb2: {  	_ =	swait.ge [sflag:s29], $0x1  }
0xb3: {  	[sflag:s29] =	ssyncadd.s32 $0xFFFFFFFF  }
0xb4: {  	_ =	strace $0x90000054  }
0xb5: {  	_ =	sfence  }
0xb6: {  	s30 =	sld [smem:$0x0];
	_ =	sdelay $0x2  }
0xb7: {  	s31 =	sshll.u32 s1, $0xD;
	s1 =	sshrl.u32 s1, $0x2  }
0xb8: {  	s3 =	sand.u32 $0x4000, s31;
	s1 =	sadd.s32 s1, s30  }
0xb9: {  	s0 =	sor.u32 s3, s0;
	s1 =	sshll.u32 s1, $0x11  }
0xba: {  	s0 =	sor.u32 s1, s0  }
0xbb: {  	s0 =	sadd.s32 $0x8F2B, s0  }
0xbc: {  	[sflag:s0] =	ssyncadd.remote.s32 $0x1  }
0xbd: {  	_ =	sfence.sel $0xFFFF  }
0xbe: {  	[dreg:$0x0] =	wrdreg $0xFFFFFFFF;
	(pc) =	sbr.abs _section_cstart, $3  }
0xbf: {  	[dreg:$0x1] =	wrdreg $0xFFFFFFFF  }
0xc0: {  	_ =	task.clear_ibuf [dreg:s6], $0x2FFFF;
	_ =	strace $0x9FFFFFFF  }
0xc1: {  	(tm) =	ssettm $0x7FFFFFFF  }
tec
execute0_lowered:
.L_overlay_start_1:
0x0: {  	(tag) =	ssettag $0x1  }
0x1: {  	s4 =	rddreg [dreg:$0x0]  }
0x2: {  	s0 =	rddreg [dreg:$0x1];
	s2 =	simm.s32 $0x0;
	s1 =	stileid.u32  }
0x3: {  	s3 =	srdreg.scid;
	s10 =	simm.s32 $0x0;
	s6 =	smul.u32 $0x2800, s1  }
0x4: {  	[smem:$0x7FF] =	sst s2;
	s5 =	sand.u32 $0x1, s3;
	s8 =	smul.u32 $0x28000, s1  }
0x5: {  	s3 =	sadd.s32 $0x11000, s4;
	s7 =	smul.u32 $0x1400, s5;
	s9 =	ssub.s32 $0x2, s5  }
0x6: {  	_ =	strace $0x80000053;
	s5 =	smul.u32 $0x14000, s5;
	s31 =	sshrl.u32 s9, $0x1  }
0x7: {  	s8 =	sadd.s32 s8, s4;
	s6 =	sadd.s32 s7, s6;
	s7 =	ssub.s32 s9, s31  }
0x8: {  	s5 =	sadd.s32 s5, s8;
	s8 =	simm.s32 $0x80;
	s6 =	sshrl.u32 s6, $0x3  }
0x9: {  	s9 =	simm.s32 $0x1;
	s5 =	sadd.s32 $0x510400, s5;
	s6 =	sadd.s32 s6, s4  }
0xa: {  	s4 =	smax.u32 s7, $0x1;
	s7 =	simm.s32 $0x2;
	s6 =	sadd.s32 $0x5E00, s6  }
.LBB2_1:
0xb: {  	s11 =	sadd.s32 $0x0, s6  }
0xc: {  	[tilespmem:s2], [sflag:$0x2] =	stream.linear.gather [hbm4b:s11+s2], $0x80, $0x38;
	[tilespmem:$0x4080] =	vst v63  }
0xd: {  	_ =	swait.ge [sflag:s7], $0x80  }
0xe: {  	[sflag:s7] =	ssyncset.done $0x0  }
0xf: {  	[sflag:s7] =	ssyncadd.s32 $0xFFFFFF80  }
0x10: {  	[tilespmem:s8], [sflag:$0x1] =	stream.indirect.gather [hbm4b:s3+s8], $0x80, s2, s8, $0xb8;
	[tilespmem:$0x4080] =	vst v63  }
0x11: {  	_ =	swait.ge [sflag:s9], $0x4000  }
0x12: {  	[sflag:s9] =	ssyncset.done $0x0  }
0x13: {  	[sflag:s9] =	ssyncadd.s32 $0xFFFFC000  }
0x14: {  	[hbm4b:s5+s2] =	stream.linear.scatter [tilespmem:s8], [sflag:$0x2], $0x4000, $0x38;
	[tilespmem:$0x4080] =	vst v63  }
0x15: {  	s12 =	simm.s32 $0x10;
	_ =	swait.ge [sflag:s7], $0x4000  }
0x16: {  	s13 =	simm.s32 $0x20;
	s11 =	sadd.s32 $0x800, s5;
	[sflag:s7] =	ssyncset.done $0x0  }
.LBB2_2:
0x17: {  	s14 =	sadd.s32 s12, s6  }
0x18: {  	[sflag:s7] =	ssyncadd.s32 $0xFFFFC000;
	s12 =	smov.u32 s13;
	s15 =	sadd.s32 $0x10, s13  }
0x19: {  	[tilespmem:s2], [sflag:$0x2] =	stream.linear.gather [hbm4b:s14+s2], $0x80, $0x38;
	[tilespmem:$0x4080] =	vst v63  }
0x1a: {  	p0 =	sne.s32 s13, $0x270;
	_ =	swait.ge [sflag:s7], $0x80  }
0x1b: {  	[sflag:s7] =	ssyncset.done $0x0  }
0x1c: {  	[sflag:s7] =	ssyncadd.s32 $0xFFFFFF80  }
0x1d: {  	[tilespmem:s8], [sflag:$0x1] =	stream.indirect.gather [hbm4b:s3+s8], $0x80, s2, s8, $0xb8;
	[tilespmem:$0x4080] =	vst v63  }
0x1e: {  	_ =	swait.ge [sflag:s9], $0x4000  }
.Ltmp0:
0x1f: {  	[sflag:s9] =	ssyncset.done $0x0;
	(pc) =	sbr.rel @p0 .LBB2_2-.Ltmp0, $4  }
0x20: {  	[sflag:s9] =	ssyncadd.s32 $0xFFFFC000  }
0x21: {  	[hbm4b:s11+s2] =	stream.linear.scatter [tilespmem:s8], [sflag:$0x2], $0x4000, $0x38;
	[tilespmem:$0x4080] =	vst v63  }
0x22: {  	_ =	swait.ge [sflag:s7], $0x4000  }
0x23: {  	s13 =	smov.u32 s15;
	s11 =	sadd.s32 $0x800, s11;
	[sflag:s7] =	ssyncset.done $0x0  }
0x24: {  	s12 =	sadd.s32 s12, s6;
	[sflag:s7] =	ssyncadd.s32 $0xFFFFC000  }
0x25: {  	[tilespmem:s2], [sflag:$0x2] =	stream.linear.gather [hbm4b:s12+s2], $0x80, $0x38;
	[tilespmem:$0x4080] =	vst v63  }
0x26: {  	_ =	swait.ge [sflag:s7], $0x80  }
0x27: {  	[sflag:s7] =	ssyncset.done $0x0  }
0x28: {  	[sflag:s7] =	ssyncadd.s32 $0xFFFFFF80  }
0x29: {  	[tilespmem:s8], [sflag:$0x1] =	stream.indirect.gather [hbm4b:s3+s8], $0x80, s2, s8, $0xb8;
	[tilespmem:$0x4080] =	vst v63  }
0x2a: {  	s10 =	sadd.s32 $0x1, s10;
	_ =	swait.ge [sflag:s9], $0x4000  }
0x2b: {  	p0 =	sne.s32 s10, s4;
	[sflag:s9] =	ssyncset.done $0x0  }
.Ltmp1:
0x2c: {  	[sflag:s9] =	ssyncadd.s32 $0xFFFFC000;
	(pc) =	sbr.rel @p0 .LBB2_1-.Ltmp1, $4  }
0x2d: {  	[hbm4b:s11+s2] =	stream.linear.scatter [tilespmem:s8], [sflag:$0x2], $0x4000, $0x38;
	[tilespmem:$0x4080] =	vst v63  }
0x2e: {  	_ =	swait.ge [sflag:s7], $0x4000  }
0x2f: {  	[sflag:s7] =	ssyncset.done $0x0  }
0x30: {  	[sflag:s7] =	ssyncadd.s32 $0xFFFFC000  }
0x31: {  	_ =	sfence.sel $0x180000  }
0x32: {  	[bflag:$0x0] =	sbarrier.arrive $0xFFFF  }
0x33: {  	p0 =	sne.s32 s1, $0x0;
	_ =	strace $0x90000053  }
0x34: {  	s0 =	sadd.s32 @!p0 $0x100000, s0;
	[bflag:$0x2] =	sbarrier.arrive $0xFFFF  }
0x35: {  	[sflag:s0] =	ssyncadd.tile.s32 @!p0 $0x1;
	_ =	shalt  }
.Lfunc_end2:
_tile_overlayer_lowered:
.L_overlay_start_2:
0x36: {  	(tag) =	ssettag $0x2  }
0x37: {  	s0 =	rddreg [dreg:$0x0];
	s2 =	stileid.u32  }
0x38: {  	s1 =	rddreg [dreg:$0x1];
	p0 =	sne.s32 s2, $0x0  }
0x39: {  	s3 =	rddreg [dreg:$0x2];
	[bflag:$0x3] =	sbarrier.arrive $0xFFFF;
	s2 =	simm.s32 @!p0 $0x1C02  }
0x3a: {  	[timem:s3], [sflag:s2] =	dma.local @!p0 [hbm:s0], s1  }
0x3b: {  	s0 =	simm.s32 @!p0 $0x2  }
0x3c: {  	_ =	swait.ge @!p0 [sflag:s0], s1  }
0x3d: {  	s1 =	ssub.s32 @!p0 $0x0, s1;
	[sflag:s0] =	ssyncset.done @!p0 $0x0  }
0x3e: {  	[sflag:s0] =	ssyncadd.s32 @!p0 s1  }
0x3f: {  	[bflag:$0x3] =	sbarrier.arrive $0xFFFF  }
0x40: {  	_ =	shalt  }

// kernel: kernel.29.cloned.1.call-start
scs
__scs_entry_jumppad:
0x0: {  	(pc) =	sbr.rel $0x88, $3  }
0x1: {  	(tag) =	ssettag $0x0;
	lr =	simm.s32 $0x1  }
0x2: {  	[smem:$0x3F98] =	sst lr;
	_ =	strace $0xD0000000  }
0x3: {  	_ = 	snop  }
0x4: {  	_ = 	snop  }
0x5: {  	_ = 	snop  }
0x6: {  	_ = 	snop  }
0x7: {  	_ = 	snop  }
__scs_overlays_trampoline_lowered:
0x8: {  	[smem:$0x3FA7] =	sst s0  }
0x9: {  	[smem:$0x3FA8] =	sst s1  }
0xa: {  	[smem:$0x3FA9] =	sst s2  }
0xb: {  	[smem:$0x3FAA] =	sst s3  }
0xc: {  	[smem:$0x3FAB] =	sst s4  }
0xd: {  	[smem:$0x3FAC] =	sst s5  }
0xe: {  	[smem:$0x3FAD] =	sst s6  }
0xf: {  	[smem:$0x3FAE] =	sst s7  }
0x10: {  	[smem:$0x3FAF] =	sst s8  }
0x11: {  	[smem:$0x3FB0] =	sst s9;
	s0 =	simm.s32 @!p0 $0x0  }
0x12: {  	s1 =	sld [smem:$0x3F96];
	s0 =	simm.s32 @p0 $0x1  }
0x13: {  	[smem:$0x3FB1] =	sst s0;
	s0 =	simm.s32 @!p1 $0x0  }
0x14: {  	s2 =	sld [smem:$0x3F95];
	s0 =	simm.s32 @p1 $0x1  }
0x15: {  	[smem:$0x3FB2] =	sst s0;
	s0 =	simm.s32 @!p2 $0x0  }
0x16: {  	s3 =	sld [smem:$0x3FDB];
	s0 =	simm.s32 @p2 $0x1  }
0x17: {  	s4 =	simm.s32 $0x1BF5;
	[smem:$0x3FB4] =	sst s0  }
0x18: {  	s0 =	sld [smem:$0x3F97];
	_ =	swait.ge [sflag:s4], $0x0  }
0x19: {  	s7 =	sld [smem:$0x3F98]  }
0x1a: {  	s8 =	sadd.s32 $0xFFFFE003, lr  }
0x1b: {  	s9 =	sadd.s32 $0xFFFFFEF7, lr;
	s5 =	simm.s32 $0xFFFFFFFF;
	p2 =	slt.u32 s8, $0xFFFFF086  }
0x1c: {  	p1 =	slt.u32 s9, $0xF7A;
	s5 =	simm.s32 @!p2 $0x0  }
0x1d: {  	s5 =	simm.s32 @p1 $0x1;
	p0 =	seq.s32 s7, s2  }
0x1e: {  	s7 =	smul.u32 @!p0 $0xF7A, s2;
	p2 =	seq.s32 @!p0 s5, $0x0  }
0x1f: {  	s9 =	smul.u32 $0xF7A, s1;
	s8 =	simm.s32 @!p0 $0x1BF5;
	p2 =	por !p2, p0  }
0x20: {  	[sflag:s8] =	ssyncset.s32 @!p0 $0xFFFFF086;
	s6 =	sadd.s32 @!p0 s3, s7;
	s7 =	simm.s32 @!p0 $0x108  }
0x21: {  	s3 =	sadd.s32 s3, s9;
	s6 =	sadd.s32 @!p0 $0x88, s6;
	s7 =	simm.s32 @p2 $0x1082  }
0x22: {  	[simem:s7], [sflag:s8] =	dma.local @!p0 [hbm:s6], $0xF7A  }
0x23: {  	s9 =	sor.u32 $0xD0000000, s2;
	s6 =	simm.s32 $0x108;
	_ =	swait.ge @!p0 [sflag:s8], $0x0  }
0x24: {  	s3 =	sadd.s32 $0x88, s3;
	s6 =	simm.s32 @!p1 $0x1082;
	[sflag:s4] =	ssyncset.s32 $0xFFFFF086  }
0x25: {  	[simem:s6], [sflag:s4] =	dma.local [hbm:s3], $0xF7A  }
0x26: {  	[smem:$0x3F98] =	sst s1;
	(tag) =	ssettag s2;
	_ =	strace s9  }
0x27: {  	s1 =	sld [smem:$0x3FA8]  }
0x28: {  	s2 =	sld [smem:$0x3FA9]  }
0x29: {  	s4 =	sld [smem:$0x3FAB]  }
0x2a: {  	p0 =	seq.s32 s5, $0x0;
	s5 =	sld [smem:$0x3FAC]  }
0x2b: {  	s6 =	sld [smem:$0x3FAD]  }
0x2c: {  	s7 =	sld [smem:$0x3FAE]  }
0x2d: {  	s3 =	simm.s32 $0x108;
	s8 =	sld [smem:$0x3FAF]  }
0x2e: {  	s3 =	simm.s32 @!p0 $0x1082;
	s9 =	sld [smem:$0x3FB0]  }
0x2f: {  	lr =	sadd.s32 s0, s3;
	s0 =	sld [smem:$0x3FA7]  }
0x30: {  	s3 =	sld [smem:$0x3FAA]  }
0x31: {  	[smem:$0x3FB3] =	sst s10  }
0x32: {  	s10 =	sld [smem:$0x3FB1];
	_ =	sdelay $0x3  }
0x33: {  	p0 =	seq.s32 s10, $0x1;
	s10 =	sld [smem:$0x3FB3];
	_ =	sdelay $0x3  }
0x34: {  	[smem:$0x3FB3] =	sst s10  }
0x35: {  	s10 =	sld [smem:$0x3FB2];
	_ =	sdelay $0x3  }
0x36: {  	p1 =	seq.s32 s10, $0x1;
	s10 =	sld [smem:$0x3FB3];
	_ =	sdelay $0x3  }
0x37: {  	[smem:$0x3FB3] =	sst s10  }
0x38: {  	s10 =	sld [smem:$0x3FB4]  }
0x39: {  	_ = 	snop;
	(pc) =	sbr.ind lr, $3  }
0x3a: {  	_ = 	snop  }
0x3b: {  	_ = 	snop  }
0x3c: {  	p2 =	seq.s32 s10, $0x1;
	s10 =	sld [smem:$0x3FB3]  }
0x3d: {  	_ =	shalt  }
0x3e: {  	_ =	shalt  }
0x3f: {  	_ =	shalt  }
0x40: {  	_ =	shalt  }
0x41: {  	_ =	shalt  }
0x42: {  	_ =	shalt  }
0x43: {  	_ =	shalt  }
0x44: {  	_ =	shalt  }
0x45: {  	_ =	shalt  }
0x46: {  	_ =	shalt  }
0x47: {  	_ =	shalt  }
0x48: {  	_ =	shalt  }
0x49: {  	_ =	shalt  }
0x4a: {  	_ =	shalt  }
0x4b: {  	_ =	shalt  }
0x4c: {  	_ =	shalt  }
0x4d: {  	_ =	shalt  }
0x4e: {  	_ =	shalt  }
0x4f: {  	_ =	shalt  }
0x50: {  	_ =	shalt  }
0x51: {  	_ =	shalt  }
0x52: {  	_ =	shalt  }
0x53: {  	_ =	shalt  }
0x54: {  	_ =	shalt  }
0x55: {  	_ =	shalt  }
0x56: {  	_ =	shalt  }
0x57: {  	_ =	shalt  }
0x58: {  	_ =	shalt  }
0x59: {  	_ =	shalt  }
0x5a: {  	_ =	shalt  }
0x5b: {  	_ =	shalt  }
0x5c: {  	_ =	shalt  }
0x5d: {  	_ =	shalt  }
0x5e: {  	_ =	shalt  }
0x5f: {  	_ =	shalt  }
0x60: {  	_ =	shalt  }
0x61: {  	_ =	shalt  }
0x62: {  	_ =	shalt  }
0x63: {  	_ =	shalt  }
0x64: {  	_ =	shalt  }
0x65: {  	_ =	shalt  }
0x66: {  	_ =	shalt  }
0x67: {  	_ =	shalt  }
0x68: {  	_ =	shalt  }
0x69: {  	_ =	shalt  }
0x6a: {  	_ =	shalt  }
0x6b: {  	_ =	shalt  }
0x6c: {  	_ =	shalt  }
0x6d: {  	_ =	shalt  }
0x6e: {  	_ =	shalt  }
0x6f: {  	_ =	shalt  }
0x70: {  	_ =	shalt  }
0x71: {  	_ =	shalt  }
0x72: {  	_ =	shalt  }
0x73: {  	_ =	shalt  }
0x74: {  	_ =	shalt  }
0x75: {  	_ =	shalt  }
0x76: {  	_ =	shalt  }
0x77: {  	_ =	shalt  }
0x78: {  	_ =	shalt  }
0x79: {  	_ =	shalt  }
0x7a: {  	_ =	shalt  }
0x7b: {  	_ =	shalt  }
0x7c: {  	_ =	shalt  }
0x7d: {  	_ =	shalt  }
0x7e: {  	_ =	shalt  }
0x7f: {  	_ =	shalt  }
0x80: {  	_ =	shalt  }
0x81: {  	_ =	shalt  }
0x82: {  	_ =	shalt  }
0x83: {  	_ =	shalt  }
0x84: {  	_ =	shalt  }
0x85: {  	_ =	shalt  }
0x86: {  	_ =	shalt  }
0x87: {  	_ =	shalt  }
.Lfunc_end0:
.L_simem_size_0:
called_computation.5_lowered:
.L_overlay_start_0:
0x88: {  	s2 =	sld [smem:$0x3FD9]  }
0x89: {  	s3 =	sld [smem:$0x3FFE];
	_ =	sdelay $0x1  }
0x8a: {  	s1 =	srdreg.scid  }
0x8b: {  	s0 =	sand.u32 $0x1, s1  }
0x8c: {  	s17 =	sshll.u32 s0, $0xA;
	s2 =	sadd.s32 s3, s2  }
0x8d: {  	s2 =	sadd.s32 s2, s17  }
0x8e: {  	[smem:$0x3FBF] =	sst s2  }
0x8f: {  	_ = 	snop  }
0x90: {  	s2 =	sld [smem:$0x3FD0];
	(tm) =	ssettm $0x1  }
0x91: {  	s18 =	sld [smem:$0x3FFB];
	_ =	sdelay $0x3  }
0x92: {  	_ =	strace s18  }
0x93: {  	s3 =	sld [smem:$0x3FFC];
	_ =	sdelay $0x3  }
0x94: {  	_ =	strace s3  }
0x95: {  	s3 =	sld [smem:$0x3FFD];
	_ =	sdelay $0x3  }
0x96: {  	_ =	strace s3  }
0x97: {  	_ =	strace $0x8FFFFFFF  }
0x98: {  	s19 =	sld [smem:$0x3FDB];
	_ =	sdelay $0x1  }
0x99: {  	s4 =	simm.s32 $_scs_section_size  }
0x9a: {  	s5 =	simm.s32 $_size__tile_overlayer_lowered;
	s6 =	simm.s32 $_tile_overlayer_lowered  }
0x9b: {  	s22 =	simm.s32 $0x1BFF;
	s21 =	sshll.u32 s6, $0x1;
	s3 =	sadd.s32 s4, s19  }
0x9c: {  	s7 =	simm.s32 $0x0;
	s20 =	sshll.u32 s5, $0x1;
	s5 =	sadd.s32 s21, s3  }
0x9d: {  	[timem:s7], [sflag:s22] =	dma.local [hbm:s5], s20  }
0x9e: {  	_ =	swait.ge [sflag:s22], s20  }
0x9f: {  	s4 =	ssub.s32 $0x0, s20;
	[sflag:s22] =	ssyncset.done $0x0  }
0xa0: {  	[sflag:s22] =	ssyncadd.s32 s4;
	_ =	sdelay $0x1  }
0xa1: {  	s23 =	simm.s32 $0x1B8B  }
0xa2: {  	_ =	swait.ge [sflag:s23], $0x1  }
0xa3: {  	[sflag:s23] =	ssyncset.done $0x0  }
0xa4: {  	s25 =	simm.s32 $0x1B8E;
	s24 =	sld [smem:$0x3FFE];
	[sflag:s23] =	ssyncadd.s32 $0xFFFFFFFF  }
0xa5: {  	s26 =	simm.s32 $execute0_lowered;
	[smem:$0x3FD2] =	sst s25  }
0xa6: {  	s5 =	sshll.u32 s26, $0x1;
	_ =	strace $0x80000055;
	[dreg:$0x1] =	wrdreg $0xFFFFFFFF  }
0xa7: {  	s28 =	simm.s32 $_size_execute0_lowered;
	s3 =	sadd.s32 s3, s5;
	[dreg:$0x0] =	wrdreg $0x0  }
0xa8: {  	s5 =	sshll.u32 s28, $0x1;
	[dreg:$0x2] =	wrdreg s3  }
0xa9: {  	[dreg:$0x3] =	wrdreg s5  }
0xaa: {  	[dreg:$0x4] =	wrdreg $0xC0  }
0xab: {  	_ =	task [dreg:s7], $0x5FFFF  }
0xac: {  	[dreg:$0x1] =	wrdreg $0xFFFFFFFF  }
0xad: {  	[dreg:$0x0] =	wrdreg $0x60  }
0xae: {  	[dreg:$0x2] =	wrdreg s24  }
0xaf: {  	[dreg:$0x3] =	wrdreg s2  }
0xb0: {  	[dreg:$0x4] =	wrdreg $0x40800  }
0xb1: {  	[dreg:$0x5] =	wrdreg $0x9  }
0xb2: {  	_ =	task.clear_ibuf [dreg:s7], $0x6FFFF;
	_ =	strace $0x90000055  }
0xb3: {  	s29 =	simm.s32 $0x9;
	_ =	strace $0x80000057  }
0xb4: {  	_ =	swait.ge [sflag:s29], $0x1  }
0xb5: {  	[sflag:s29] =	ssyncadd.s32 $0xFFFFFFFF  }
0xb6: {  	_ =	strace $0x90000057  }
0xb7: {  	_ =	sfence  }
0xb8: {  	s30 =	sld [smem:$0x0];
	_ =	sdelay $0x2  }
0xb9: {  	s31 =	sshll.u32 s1, $0xD;
	s1 =	sshrl.u32 s1, $0x2  }
0xba: {  	s3 =	sand.u32 $0x4000, s31;
	s1 =	sadd.s32 s1, s30  }
0xbb: {  	s0 =	sor.u32 s3, s0;
	s1 =	sshll.u32 s1, $0x11  }
0xbc: {  	s0 =	sor.u32 s1, s0  }
0xbd: {  	s0 =	sadd.s32 $0x8F2B, s0  }
0xbe: {  	[sflag:s0] =	ssyncadd.remote.s32 $0x1  }
0xbf: {  	_ =	sfence.sel $0xFFFF  }
0xc0: {  	[dreg:$0x0] =	wrdreg $0xFFFFFFFF;
	(pc) =	sbr.abs _section_cstart, $3  }
0xc1: {  	[dreg:$0x1] =	wrdreg $0xFFFFFFFF  }
0xc2: {  	_ =	task.clear_ibuf [dreg:s7], $0x2FFFF;
	_ =	strace $0x9FFFFFFF  }
0xc3: {  	(tm) =	ssettm $0x7FFFFFFF  }
tec
execute0_lowered:
.L_overlay_start_1:
0x0: {  	(tag) =	ssettag $0x1  }
0x1: {  	s3 =	rddreg [dreg:$0x0];
	s11 =	stileid.u32  }
0x2: {  	s5 =	rddreg [dreg:$0x1];
	s4 =	smul.u32 $0x28000, s11  }
0x3: {  	s0 =	srdreg.scid;
	s7 =	smul.u32 $0x2800, s11  }
0x4: {  	s1 =	rddreg [dreg:$0x2];
	s2 =	simm.s32 $0x0;
	s23 =	smul.u32 $0x2700, s11  }
0x5: {  	s6 =	sand.u32 $0x1, s0;
	s0 =	rddreg [dreg:$0x3];
	s12 =	smul.u32 $0x4E000, s11  }
0x6: {  	[smem:$0x7FF] =	sst s2;
	s13 =	sadd.s32 $0x5F400, s3;
	s8 =	smul.u32 $0x1400, s6  }
0x7: {  	s28 =	sshll.u32 s11, $0x6;
	s16 =	sadd.s32 $0x138000, s1;
	s25 =	smul.u32 $0x27100, s6  }
0x8: {  	p0 =	sne.s32 s11, $0x0;
	_ =	strace $0x80000056;
	s29 =	smul.u32 $0x138800, s6  }
0x9: {  	s22 =	ssub.s32 $0x2, s6;
	s31 =	smul.u32 $0x14000, s6;
	s9 =	sadd.s32 s4, s3  }
0xa: {  	s24 =	sshrl.u32 s22, $0x1;
	s26 =	sshrl.u32 s12, $0x2;
	s12 =	simm.s32 $0x1  }
0xb: {  	s21 =	sadd.s32 s8, s7;
	s14 =	ssub.s32 s22, s24;
	s15 =	sadd.s32 s26, s1  }
0xc: {  	s7 =	sadd.s32 s23, s25;
	s30 =	sshrl.u32 s29, $0x3;
	s9 =	sadd.s32 s31, s9  }
0xd: {  	s4 =	sshrl.u32 s21, $0x3;
	s8 =	sadd.s32 s13, s30;
	s6 =	sadd.s32 s13, s7  }
0xe: {  	s9 =	sadd.s32 $0x790400, s9;
	s11 =	sshrl.u32 s15, $0x3;
	s13 =	sshrl.u32 @!p0 s16, $0x3  }
0xf: {  	s15 =	simm.s32 $0x0;
	s10 =	sadd.s32 s4, s3;
	s3 =	sadd.s32 s5, s23  }
0x10: {  	s4 =	sor.u32 $0x1C01, s28;
	s5 =	sadd.s32 $0x27000, s5;
	s7 =	sadd.s32 $0x27000, s8  }
0x11: {  	s8 =	smax.u32 s14, $0x1;
	s14 =	simm.s32 $0x80;
	s10 =	sadd.s32 $0x28B400, s10  }
.LBB2_1:
0x12: {  	[spmem:s11], [sflag:s4] =	dma.local [hbm:s3], $0x2700  }
0x13: {  	_ =	swait.ge [sflag:s12], $0x2700  }
0x14: {  	[sflag:s12] =	ssyncset.done $0x0  }
0x15: {  	s16 =	simm.s32 @!p0 $0x1;
	[sflag:s12] =	ssyncadd.s32 $0xFFFFD900  }
0x16: {  	[spmem:s13], [sflag:s4] =	dma.local @!p0 [hbm:s5], $0x100  }
0x17: {  	_ =	swait.ge @!p0 [sflag:s16], $0x100  }
0x18: {  	[sflag:s16] =	ssyncset.done @!p0 $0x0  }
0x19: {  	[sflag:s16] =	ssyncadd.s32 @!p0 $0xFFFFFF00  }
0x1a: {  	s31 =	sadd.s32 $0x0, s10;
	[bflag:$0x0] =	sbarrier.arrive $0xFFFF  }
0x1b: {  	[tilespmem:s2], [sflag:$0x1] =	stream.linear.gather [hbm4b:s31+s2], $0x80, $0x38;
	[tilespmem:$0x17900] =	vst v63  }
0x1c: {  	_ =	swait.ge [sflag:s12], $0x80  }
0x1d: {  	[sflag:s12] =	ssyncset.done $0x0  }
0x1e: {  	[sflag:s12] =	ssyncadd.s32 $0xFFFFFF80  }
0x1f: {  	[tilespmem:s14], [sflag:$0x1] =	stream.linear.gather [hbm4b:s9+s2], $0x4000, $0x38;
	[tilespmem:$0x17900] =	vst v63  }
0x20: {  	_ =	swait.ge [sflag:s12], $0x4000  }
0x21: {  	[sflag:s12] =	ssyncset.done $0x0  }
0x22: {  	[sflag:s12] =	ssyncadd.s32 $0xFFFFC000  }
0x23: {  	[spmem:s1] =	stream.indirect.scatter.add.f32 [tilespmem:s14], [sflag:$0x1], $0x80, s2, s14, $0xb8;
	[tilespmem:$0x17900] =	vst v63  }
0x24: {  	s17 =	simm.s32 $0x10;
	_ =	swait.ge [sflag:s12], $0x4000  }
0x25: {  	s18 =	simm.s32 $0x20;
	s16 =	sadd.s32 $0x800, s9;
	[sflag:s12] =	ssyncset.done $0x0  }
.LBB2_2:
0x26: {  	s19 =	sadd.s32 s17, s10  }
0x27: {  	[sflag:s12] =	ssyncadd.s32 $0xFFFFC000;
	s17 =	smov.u32 s18;
	s20 =	sadd.s32 $0x10, s18  }
0x28: {  	[tilespmem:s2], [sflag:$0x1] =	stream.linear.gather [hbm4b:s19+s2], $0x80, $0x38;
	[tilespmem:$0x17900] =	vst v63  }
0x29: {  	p1 =	sne.s32 s18, $0x270;
	_ =	swait.ge [sflag:s12], $0x80  }
0x2a: {  	[sflag:s12] =	ssyncset.done $0x0  }
0x2b: {  	[sflag:s12] =	ssyncadd.s32 $0xFFFFFF80  }
0x2c: {  	[tilespmem:s14], [sflag:$0x1] =	stream.linear.gather [hbm4b:s16+s2], $0x4000, $0x38;
	[tilespmem:$0x17900] =	vst v63  }
0x2d: {  	_ =	swait.ge [sflag:s12], $0x4000  }
.Ltmp0:
0x2e: {  	[sflag:s12] =	ssyncset.done $0x0;
	(pc) =	sbr.rel @p1 .LBB2_2-.Ltmp0, $4  }
0x2f: {  	[sflag:s12] =	ssyncadd.s32 $0xFFFFC000  }
0x30: {  	[spmem:s1] =	stream.indirect.scatter.add.f32 [tilespmem:s14], [sflag:$0x1], $0x80, s2, s14, $0xb8;
	[tilespmem:$0x17900] =	vst v63  }
0x31: {  	_ =	swait.ge [sflag:s12], $0x4000  }
0x32: {  	s18 =	smov.u32 s20;
	s16 =	sadd.s32 $0x800, s16;
	[sflag:s12] =	ssyncset.done $0x0  }
0x33: {  	s17 =	sadd.s32 s17, s10;
	[sflag:s12] =	ssyncadd.s32 $0xFFFFC000  }
0x34: {  	[tilespmem:s2], [sflag:$0x1] =	stream.linear.gather [hbm4b:s17+s2], $0x80, $0x38;
	[tilespmem:$0x17900] =	vst v63  }
0x35: {  	_ =	swait.ge [sflag:s12], $0x80  }
0x36: {  	[sflag:s12] =	ssyncset.done $0x0  }
0x37: {  	[sflag:s12] =	ssyncadd.s32 $0xFFFFFF80  }
0x38: {  	[tilespmem:s14], [sflag:$0x1] =	stream.linear.gather [hbm4b:s16+s2], $0x4000, $0x38;
	[tilespmem:$0x17900] =	vst v63  }
0x39: {  	_ =	swait.ge [sflag:s12], $0x4000  }
0x3a: {  	[sflag:s12] =	ssyncset.done $0x0  }
0x3b: {  	[sflag:s12] =	ssyncadd.s32 $0xFFFFC000  }
0x3c: {  	[spmem:s1] =	stream.indirect.scatter.add.f32 [tilespmem:s14], [sflag:$0x1], $0x80, s2, s14, $0xb8;
	[tilespmem:$0x17900] =	vst v63  }
0x3d: {  	_ =	swait.ge [sflag:s12], $0x4000  }
0x3e: {  	[sflag:s12] =	ssyncset.done $0x0  }
0x3f: {  	[sflag:s12] =	ssyncadd.s32 $0xFFFFC000  }
0x40: {  	[bflag:$0x0] =	sbarrier.arrive $0xFFFF  }
0x41: {  	[hbm:s6], [sflag:s4] =	dma.local [spmem:s11], $0x2700  }
0x42: {  	s15 =	sadd.s32 $0x1, s15;
	_ =	swait.ge [sflag:s12], $0x2700  }
0x43: {  	p1 =	sne.s32 s15, s8;
	[sflag:s12] =	ssyncset.done $0x0  }
.Ltmp1:
0x44: {  	s16 =	simm.s32 @!p0 $0x1;
	[sflag:s12] =	ssyncadd.s32 $0xFFFFD900;
	(pc) =	sbr.rel @p1 .LBB2_1-.Ltmp1, $4  }
0x45: {  	[hbm:s7], [sflag:s4] =	dma.local @!p0 [spmem:s13], $0x100  }
0x46: {  	_ =	swait.ge @!p0 [sflag:s16], $0x100  }
0x47: {  	[sflag:s16] =	ssyncset.done @!p0 $0x0  }
0x48: {  	[sflag:s16] =	ssyncadd.s32 @!p0 $0xFFFFFF00  }
0x49: {  	_ =	sfence.sel $0x180000  }
0x4a: {  	[bflag:$0x0] =	sbarrier.arrive $0xFFFF  }
0x4b: {  	_ =	strace $0x90000056  }
0x4c: {  	s0 =	sadd.s32 @!p0 $0x100000, s0;
	[bflag:$0x2] =	sbarrier.arrive $0xFFFF  }
0x4d: {  	[sflag:s0] =	ssyncadd.tile.s32 @!p0 $0x1;
	_ =	shalt  }
.Lfunc_end2:
_tile_overlayer_lowered:
.L_overlay_start_2:
0x4e: {  	(tag) =	ssettag $0x2  }
0x4f: {  	s0 =	rddreg [dreg:$0x0];
	s2 =	stileid.u32  }
0x50: {  	s1 =	rddreg [dreg:$0x1];
	p0 =	sne.s32 s2, $0x0  }
0x51: {  	s3 =	rddreg [dreg:$0x2];
	[bflag:$0x3] =	sbarrier.arrive $0xFFFF;
	s2 =	simm.s32 @!p0 $0x1C01  }
0x52: {  	[timem:s3], [sflag:s2] =	dma.local @!p0 [hbm:s0], s1  }
0x53: {  	s0 =	simm.s32 @!p0 $0x1  }
0x54: {  	_ =	swait.ge @!p0 [sflag:s0], s1  }
0x55: {  	s1 =	ssub.s32 @!p0 $0x0, s1;
	[sflag:s0] =	ssyncset.done @!p0 $0x0  }
0x56: {  	[sflag:s0] =	ssyncadd.s32 @!p0 s1  }
0x57: {  	[bflag:$0x3] =	sbarrier.arrive $0xFFFF  }
0x58: {  	_ =	shalt  }

</sc_bundles>
